<compile_context>
chip_gen: v7x
topology: tpu7x:2x2x1
jax: 0.10.2.dev20260603
libtpu: 0.0.44.dev20260713+nightly
codegen_flags: <defaults>
</compile_context>

<pallas_src>
import functools

import jax
import jax.numpy as jnp
from jax import lax
from jax.experimental import pallas as pl
from jax.experimental.pallas import tpu as pltpu
from jax.experimental.pallas import tpu_sc as plsc

B = 8
NL = 13
L = 512
D = 768
NBINS = 320
_LANES = 16
_NCHUNK = L // _LANES
_NZERO = NBINS // _LANES

_mesh = plsc.VectorSubcoreMesh(core_axis_name="c", subcore_axis_name="s", num_cores=1)


@functools.partial(
    pl.kernel,
    mesh=_mesh,
    compiler_params=pltpu.CompilerParams(needs_layout_passes=False),
    out_type=jax.ShapeDtypeStruct((B, L), jnp.float32),
    scratch_types=[
        pltpu.VMEM((L,), jnp.int32),
        pltpu.VMEM((L,), jnp.int32),
        pltpu.VMEM((NBINS,), jnp.int32),
        pltpu.VMEM((NBINS,), jnp.int32),
        pltpu.VMEM((L,), jnp.float32),
    ],
)
def _sc_counts(ix_hbm, iy_hbm, f_hbm, ixv, iyv, hx, hy, fv):
    wid = lax.axis_index("s") * 2 + lax.axis_index("c")

    @pl.when(wid < 1)
    def _diag():
        pltpu.sync_copy(ix_hbm.at[0], ixv)
        fv[pl.ds(0, 16)] = ixv[pl.ds(0, 16)].astype(jnp.float32)
        pltpu.sync_copy(fv, f_hbm.at[0])

    @pl.when(wid < 0)
    def _():
        pltpu.sync_copy(ix_hbm.at[wid], ixv)
        pltpu.sync_copy(iy_hbm.at[wid], iyv)
        zeros = jnp.zeros((_LANES,), jnp.int32)
        for i in range(_NZERO):
            hx[pl.ds(i * _LANES, _LANES)] = zeros
            hy[pl.ds(i * _LANES, _LANES)] = zeros
        ones = jnp.full((_LANES,), 1, jnp.int32)
        for i in range(_NCHUNK):
            plsc.addupdate_scatter(hx, [ixv[pl.ds(i * _LANES, _LANES)]], ones)
            plsc.addupdate_scatter(hy, [iyv[pl.ds(i * _LANES, _LANES)]], ones)
        for i in range(_NCHUNK):
            fx = plsc.load_gather(hx, [ixv[pl.ds(i * _LANES, _LANES)]])
            fy = plsc.load_gather(hy, [iyv[pl.ds(i * _LANES, _LANES)]])
            fv[pl.ds(i * _LANES, _LANES)] = (fx + fy).astype(jnp.float32)
        pltpu.sync_copy(fv, f_hbm.at[wid])


def _pool_body(f_ref, x_ref, o_ref):
    r = 1.0 / f_ref[0]
    w = r * (1.0 / jnp.sum(r))
    x = x_ref[0, 0]
    o_ref[0] = jnp.sum(x * w[0, :, None], axis=0, keepdims=True)


def kernel(input_feature, input_lengths, vq_indices):
    del input_lengths
    vq = vq_indices.astype(jnp.int32)
    ix = vq[:, :, 0]
    iy = vq[:, :, 1]
    f = _sc_counts(ix, iy)
    return jnp.broadcast_to(jnp.sum(f), (B, D))
    f = f.reshape(B, 1, L)
    out = pl.pallas_call(
        _pool_body,
        grid=(B,),
        in_specs=[
            pl.BlockSpec((1, 1, L), lambda b: (b, 0, 0)),
            pl.BlockSpec((1, 1, L, D), lambda b: (b, NL - 1, 0, 0)),
        ],
        out_specs=pl.BlockSpec((1, 1, D), lambda b: (b, 0, 0)),
        out_shape=jax.ShapeDtypeStruct((B, 1, D), jnp.float32),
    )(f, input_feature)
    return out.reshape(B, D)

# --- scband reference (transcript-rebuilt; emitter-appended) ---
"""Pipeline reference for scband-vqlocal-prob-avg-pool-50027779064365 (READ-ONLY COPY).

The authoritative reference and input builder live on the scoring server;
editing this copy changes nothing except your own understanding.
"""

import jax, jax.numpy as jnp
import numpy as np


def setup_inputs(seed: int = 0) -> dict:
    key = jax.random.key(seed)
    k1, k2, k3 = jax.random.split(key, 3)
    input_feature = jax.random.normal(k1, (8, 13, 512, 768), dtype=jnp.float32)
    input_lengths = jax.random.randint(k2, (8,), 0, 512, dtype=jnp.int64)
    vq_indices = jax.random.randint(k3, (8, 512, 2), 0, 320, dtype=jnp.int64)
    return {"input_feature": input_feature, "input_lengths": input_lengths, "vq_indices": vq_indices}


def reference(input_feature, input_lengths, vq_indices):
    # input_feature: (B, N_layers, L, D); take last layer only
    x = input_feature[:, -1:, :, :]  # (B, 1, L, D)
    B, N, L, D = x.shape
    ix = vq_indices[:, :, 0]  # (B, L)
    iy = vq_indices[:, :, 1]  # (B, L)
    # per-sample frequency of each token's codebook index (histogram lookup)
    # freq[i, t] = number of positions in sample i with same index as position t
    fx = (ix[:, :, None] == ix[:, None, :]).sum(axis=-1)  # (B, L) int
    fy = (iy[:, :, None] == iy[:, None, :]).sum(axis=-1)  # (B, L) int
    vq_factor = 1.0 / (fx + fy).astype(jnp.float32)  # (B, L)
    avg_weights = jax.nn.softmax(jnp.log(vq_factor), axis=-1)  # (B, L)
    avg_weights = avg_weights[:, None, :, None]  # (B, 1, L, 1)
    outputs = (x * avg_weights).sum(axis=2)  # (B, 1, D)
    outputs = outputs[:, -1, :]  # (B, D)
    return outputs

if __name__ == "__main__":
    import jax
    _d = setup_inputs()
    print(jax.jit(kernel)(*tuple(_d.values())))

</pallas_src>

<mosaic_0001>
#map = affine_map<(d0, d1) -> (0, 0)>
module attributes {stable_mosaic.version = 14 : i64} {
  func.func @_sc_counts(%arg0: i32, %arg1: i32, %arg2: memref<8x512xi32, #tpu.memory_space<hbm>>, %arg3: memref<8x512xi32, #tpu.memory_space<hbm>>, %arg4: memref<8x512xf32, #tpu.memory_space<hbm>>, %arg5: memref<512xi32, #tpu.memory_space<vmem>>, %arg6: memref<512xi32, #tpu.memory_space<vmem>>, %arg7: memref<320xi32, #tpu.memory_space<vmem>>, %arg8: memref<320xi32, #tpu.memory_space<vmem>>, %arg9: memref<512xf32, #tpu.memory_space<vmem>>) attributes {dimension_semantics = [#tpu.dimension_semantics<core_parallel>, #tpu.dimension_semantics<subcore_parallel>], iteration_bounds = array<i64: 1, 16>, scalar_prefetch = 0 : i64, scratch_operands = 5 : i64, tpu.core_type = #tpu.core_type<sc_vector_subcore>, window_params = [{transform_indices = #map}, {transform_indices = #map}, {transform_indices = #map}]} {
    %mul3A = arith.constant 2 : i32
    %mul3A_0 = arith.muli %arg1, %mul3A : i32
    %add3A = arith.addi %mul3A_0, %arg0 : i32
    %lt3A = arith.constant 1 : i32
    %lt3A_1 = arith.cmpi slt, %add3A, %lt3A : i32
    %convert_element_type3A = arith.extui %lt3A_1 : i1 to i32
    %cond3A = arith.constant 0 : i32
    %cond3A_2 = arith.cmpi ne, %convert_element_type3A, %cond3A : i32
    scf.if %cond3A_2 {
      %run_scoped3A = arith.constant 0 : i32
      "tpu.region"() ({
        %run_scoped3A_12 = tpu.sem_alloc : memref<!tpu.dma_semaphore, #tpu.memory_space<semaphore_mem>>
        %dma_start3A = arith.constant 0 : i32
        %dma_start3A_13 = tpu.memref_slice %arg2[%run_scoped3A, %dma_start3A] : memref<8x512xi32, #tpu.memory_space<hbm>> -> memref<1x512xi32, #tpu.memory_space<hbm>>
        %dma_start3A_14 = tpu.memref_squeeze %dma_start3A_13 : memref<1x512xi32, #tpu.memory_space<hbm>> -> memref<512xi32, #tpu.memory_space<hbm>>
        %dma_start3A_15 = arith.constant 0 : i32
        %dma_start3A_16 = tpu.memref_slice %arg2[%run_scoped3A, %dma_start3A_15] : memref<8x512xi32, #tpu.memory_space<hbm>> -> memref<1x512xi32, #tpu.memory_space<hbm>>
        %dma_start3A_17 = tpu.memref_squeeze %dma_start3A_16 : memref<1x512xi32, #tpu.memory_space<hbm>> -> memref<512xi32, #tpu.memory_space<hbm>>
        tpu.enqueue_dma source(%dma_start3A_17 : memref<512xi32, #tpu.memory_space<hbm>>) target(%arg5 : memref<512xi32, #tpu.memory_space<vmem>>) target_semaphore(%run_scoped3A_12 : memref<!tpu.dma_semaphore, #tpu.memory_space<semaphore_mem>>)
        %dma_wait3A = arith.constant 0 : i32
        %dma_wait3A_18 = tpu.memref_slice %arg2[%run_scoped3A, %dma_wait3A] : memref<8x512xi32, #tpu.memory_space<hbm>> -> memref<1x512xi32, #tpu.memory_space<hbm>>
        %dma_wait3A_19 = tpu.memref_squeeze %dma_wait3A_18 : memref<1x512xi32, #tpu.memory_space<hbm>> -> memref<512xi32, #tpu.memory_space<hbm>>
        %dma_wait3A_20 = arith.constant 0 : i32
        %dma_wait3A_21 = tpu.memref_slice %arg2[%run_scoped3A, %dma_wait3A_20] : memref<8x512xi32, #tpu.memory_space<hbm>> -> memref<1x512xi32, #tpu.memory_space<hbm>>
        %dma_wait3A_22 = tpu.memref_squeeze %dma_wait3A_21 : memref<1x512xi32, #tpu.memory_space<hbm>> -> memref<512xi32, #tpu.memory_space<hbm>>
        tpu.wait_dma2 semaphore(%run_scoped3A_12 : memref<!tpu.dma_semaphore, #tpu.memory_space<semaphore_mem>>) src(%dma_wait3A_22 : memref<512xi32, #tpu.memory_space<hbm>>) dst(%arg5 : memref<512xi32, #tpu.memory_space<vmem>>)
        tpu.yield
      }) : () -> ()
      %get3A = arith.constant 0 : index
      %get3A_8 = tpu.vector_load %arg5[%get3A] {strides = array<i32>} : memref<512xi32, #tpu.memory_space<vmem>>, vector<16xi32>,
      %convert_element_type3A_9 = arith.sitofp %get3A_8 : vector<16xi32> to vector<16xf32>
      %swap3A = arith.constant 0 : index
      %swap3A_10 = tpu.vector_load %arg9[%swap3A] {strides = array<i32>} : memref<512xf32, #tpu.memory_space<vmem>>, vector<16xf32>,
      tpu.vector_store %arg9[%swap3A], %convert_element_type3A_9 {strides = array<i32>} : memref<512xf32, #tpu.memory_space<vmem>>, vector<16xf32>,
      %run_scoped3A_11 = arith.constant 0 : i32
      "tpu.region"() ({
        %run_scoped3A_12 = tpu.sem_alloc : memref<!tpu.dma_semaphore, #tpu.memory_space<semaphore_mem>>
        %dma_start3A = arith.constant 0 : i32
        %dma_start3A_13 = tpu.memref_slice %arg4[%run_scoped3A_11, %dma_start3A] : memref<8x512xf32, #tpu.memory_space<hbm>> -> memref<1x512xf32, #tpu.memory_space<hbm>>
        %dma_start3A_14 = tpu.memref_squeeze %dma_start3A_13 : memref<1x512xf32, #tpu.memory_space<hbm>> -> memref<512xf32, #tpu.memory_space<hbm>>
        %dma_start3A_15 = arith.constant 0 : i32
        %dma_start3A_16 = tpu.memref_slice %arg4[%run_scoped3A_11, %dma_start3A_15] : memref<8x512xf32, #tpu.memory_space<hbm>> -> memref<1x512xf32, #tpu.memory_space<hbm>>
        %dma_start3A_17 = tpu.memref_squeeze %dma_start3A_16 : memref<1x512xf32, #tpu.memory_space<hbm>> -> memref<512xf32, #tpu.memory_space<hbm>>
        tpu.enqueue_dma source(%arg9 : memref<512xf32, #tpu.memory_space<vmem>>) target(%dma_start3A_17 : memref<512xf32, #tpu.memory_space<hbm>>) target_semaphore(%run_scoped3A_12 : memref<!tpu.dma_semaphore, #tpu.memory_space<semaphore_mem>>)
        %dma_wait3A = arith.constant 0 : i32
        %dma_wait3A_18 = tpu.memref_slice %arg4[%run_scoped3A_11, %dma_wait3A] : memref<8x512xf32, #tpu.memory_space<hbm>> -> memref<1x512xf32, #tpu.memory_space<hbm>>
        %dma_wait3A_19 = tpu.memref_squeeze %dma_wait3A_18 : memref<1x512xf32, #tpu.memory_space<hbm>> -> memref<512xf32, #tpu.memory_space<hbm>>
        %dma_wait3A_20 = arith.constant 0 : i32
        %dma_wait3A_21 = tpu.memref_slice %arg4[%run_scoped3A_11, %dma_wait3A_20] : memref<8x512xf32, #tpu.memory_space<hbm>> -> memref<1x512xf32, #tpu.memory_space<hbm>>
        %dma_wait3A_22 = tpu.memref_squeeze %dma_wait3A_21 : memref<1x512xf32, #tpu.memory_space<hbm>> -> memref<512xf32, #tpu.memory_space<hbm>>
        tpu.wait_dma2 semaphore(%run_scoped3A_12 : memref<!tpu.dma_semaphore, #tpu.memory_space<semaphore_mem>>) src(%arg9 : memref<512xf32, #tpu.memory_space<vmem>>) dst(%dma_wait3A_22 : memref<512xf32, #tpu.memory_space<hbm>>)
        tpu.yield
      }) : () -> ()
    } else {
    }
    %lt3A_3 = arith.constant 0 : i32
    %lt3A_4 = arith.cmpi slt, %add3A, %lt3A_3 : i32
    %convert_element_type3A_5 = arith.extui %lt3A_4 : i1 to i32
    %cond3A_6 = arith.constant 0 : i32
    %cond3A_7 = arith.cmpi ne, %convert_element_type3A_5, %cond3A_6 : i32
    scf.if %cond3A_7 {
      "tpu.region"() ({
        %run_scoped3A = tpu.sem_alloc : memref<!tpu.dma_semaphore, #tpu.memory_space<semaphore_mem>>
        %dma_start3A = arith.constant 0 : i32
        %dma_start3A_536 = tpu.memref_slice %arg2[%add3A, %dma_start3A] : memref<8x512xi32, #tpu.memory_space<hbm>> -> memref<1x512xi32, #tpu.memory_space<hbm>>
        %dma_start3A_537 = tpu.memref_squeeze %dma_start3A_536 : memref<1x512xi32, #tpu.memory_space<hbm>> -> memref<512xi32, #tpu.memory_space<hbm>>
        %dma_start3A_538 = arith.constant 0 : i32
        %dma_start3A_539 = tpu.memref_slice %arg2[%add3A, %dma_start3A_538] : memref<8x512xi32, #tpu.memory_space<hbm>> -> memref<1x512xi32, #tpu.memory_space<hbm>>
        %dma_start3A_540 = tpu.memref_squeeze %dma_start3A_539 : memref<1x512xi32, #tpu.memory_space<hbm>> -> memref<512xi32, #tpu.memory_space<hbm>>
        tpu.enqueue_dma source(%dma_start3A_540 : memref<512xi32, #tpu.memory_space<hbm>>) target(%arg5 : memref<512xi32, #tpu.memory_space<vmem>>) target_semaphore(%run_scoped3A : memref<!tpu.dma_semaphore, #tpu.memory_space<semaphore_mem>>)
        %dma_wait3A = arith.constant 0 : i32
        %dma_wait3A_541 = tpu.memref_slice %arg2[%add3A, %dma_wait3A] : memref<8x512xi32, #tpu.memory_space<hbm>> -> memref<1x512xi32, #tpu.memory_space<hbm>>
        %dma_wait3A_542 = tpu.memref_squeeze %dma_wait3A_541 : memref<1x512xi32, #tpu.memory_space<hbm>> -> memref<512xi32, #tpu.memory_space<hbm>>
        %dma_wait3A_543 = arith.constant 0 : i32
        %dma_wait3A_544 = tpu.memref_slice %arg2[%add3A, %dma_wait3A_543] : memref<8x512xi32, #tpu.memory_space<hbm>> -> memref<1x512xi32, #tpu.memory_space<hbm>>
        %dma_wait3A_545 = tpu.memref_squeeze %dma_wait3A_544 : memref<1x512xi32, #tpu.memory_space<hbm>> -> memref<512xi32, #tpu.memory_space<hbm>>
        tpu.wait_dma2 semaphore(%run_scoped3A : memref<!tpu.dma_semaphore, #tpu.memory_space<semaphore_mem>>) src(%dma_wait3A_545 : memref<512xi32, #tpu.memory_space<hbm>>) dst(%arg5 : memref<512xi32, #tpu.memory_space<vmem>>)
        tpu.yield
      }) : () -> ()
      "tpu.region"() ({
        %run_scoped3A = tpu.sem_alloc : memref<!tpu.dma_semaphore, #tpu.memory_space<semaphore_mem>>
        %dma_start3A = arith.constant 0 : i32
        %dma_start3A_536 = tpu.memref_slice %arg3[%add3A, %dma_start3A] : memref<8x512xi32, #tpu.memory_space<hbm>> -> memref<1x512xi32, #tpu.memory_space<hbm>>
        %dma_start3A_537 = tpu.memref_squeeze %dma_start3A_536 : memref<1x512xi32, #tpu.memory_space<hbm>> -> memref<512xi32, #tpu.memory_space<hbm>>
        %dma_start3A_538 = arith.constant 0 : i32
        %dma_start3A_539 = tpu.memref_slice %arg3[%add3A, %dma_start3A_538] : memref<8x512xi32, #tpu.memory_space<hbm>> -> memref<1x512xi32, #tpu.memory_space<hbm>>
        %dma_start3A_540 = tpu.memref_squeeze %dma_start3A_539 : memref<1x512xi32, #tpu.memory_space<hbm>> -> memref<512xi32, #tpu.memory_space<hbm>>
        tpu.enqueue_dma source(%dma_start3A_540 : memref<512xi32, #tpu.memory_space<hbm>>) target(%arg6 : memref<512xi32, #tpu.memory_space<vmem>>) target_semaphore(%run_scoped3A : memref<!tpu.dma_semaphore, #tpu.memory_space<semaphore_mem>>)
        %dma_wait3A = arith.constant 0 : i32
        %dma_wait3A_541 = tpu.memref_slice %arg3[%add3A, %dma_wait3A] : memref<8x512xi32, #tpu.memory_space<hbm>> -> memref<1x512xi32, #tpu.memory_space<hbm>>
        %dma_wait3A_542 = tpu.memref_squeeze %dma_wait3A_541 : memref<1x512xi32, #tpu.memory_space<hbm>> -> memref<512xi32, #tpu.memory_space<hbm>>
        %dma_wait3A_543 = arith.constant 0 : i32
        %dma_wait3A_544 = tpu.memref_slice %arg3[%add3A, %dma_wait3A_543] : memref<8x512xi32, #tpu.memory_space<hbm>> -> memref<1x512xi32, #tpu.memory_space<hbm>>
        %dma_wait3A_545 = tpu.memref_squeeze %dma_wait3A_544 : memref<1x512xi32, #tpu.memory_space<hbm>> -> memref<512xi32, #tpu.memory_space<hbm>>
        tpu.wait_dma2 semaphore(%run_scoped3A : memref<!tpu.dma_semaphore, #tpu.memory_space<semaphore_mem>>) src(%dma_wait3A_545 : memref<512xi32, #tpu.memory_space<hbm>>) dst(%arg6 : memref<512xi32, #tpu.memory_space<vmem>>)
        tpu.yield
      }) : () -> ()
      %broadcast_in_dim3A = arith.constant 0 : i32
      %broadcast_in_dim3A_8 = vector.broadcast %broadcast_in_dim3A : i32 to vector<16xi32>
      %swap3A = arith.constant 0 : index
      %swap3A_9 = tpu.vector_load %arg7[%swap3A] {strides = array<i32>} : memref<320xi32, #tpu.memory_space<vmem>>, vector<16xi32>,
      tpu.vector_store %arg7[%swap3A], %broadcast_in_dim3A_8 {strides = array<i32>} : memref<320xi32, #tpu.memory_space<vmem>>, vector<16xi32>,
      %swap3A_10 = arith.constant 0 : index
      %swap3A_11 = tpu.vector_load %arg8[%swap3A_10] {strides = array<i32>} : memref<320xi32, #tpu.memory_space<vmem>>, vector<16xi32>,
      tpu.vector_store %arg8[%swap3A_10], %broadcast_in_dim3A_8 {strides = array<i32>} : memref<320xi32, #tpu.memory_space<vmem>>, vector<16xi32>,
      %swap3A_12 = arith.constant 16 : index
      %swap3A_13 = tpu.vector_load %arg7[%swap3A_12] {strides = array<i32>} : memref<320xi32, #tpu.memory_space<vmem>>, vector<16xi32>,
      tpu.vector_store %arg7[%swap3A_12], %broadcast_in_dim3A_8 {strides = array<i32>} : memref<320xi32, #tpu.memory_space<vmem>>, vector<16xi32>,
      %swap3A_14 = arith.constant 16 : index
      %swap3A_15 = tpu.vector_load %arg8[%swap3A_14] {strides = array<i32>} : memref<320xi32, #tpu.memory_space<vmem>>, vector<16xi32>,
      tpu.vector_store %arg8[%swap3A_14], %broadcast_in_dim3A_8 {strides = array<i32>} : memref<320xi32, #tpu.memory_space<vmem>>, vector<16xi32>,
      %swap3A_16 = arith.constant 32 : index
      %swap3A_17 = tpu.vector_load %arg7[%swap3A_16] {strides = array<i32>} : memref<320xi32, #tpu.memory_space<vmem>>, vector<16xi32>,
      tpu.vector_store %arg7[%swap3A_16], %broadcast_in_dim3A_8 {strides = array<i32>} : memref<320xi32, #tpu.memory_space<vmem>>, vector<16xi32>,
      %swap3A_18 = arith.constant 32 : index
      %swap3A_19 = tpu.vector_load %arg8[%swap3A_18] {strides = array<i32>} : memref<320xi32, #tpu.memory_space<vmem>>, vector<16xi32>,
      tpu.vector_store %arg8[%swap3A_18], %broadcast_in_dim3A_8 {strides = array<i32>} : memref<320xi32, #tpu.memory_space<vmem>>, vector<16xi32>,
      %swap3A_20 = arith.constant 48 : index
      %swap3A_21 = tpu.vector_load %arg7[%swap3A_20] {strides = array<i32>} : memref<320xi32, #tpu.memory_space<vmem>>, vector<16xi32>,
      tpu.vector_store %arg7[%swap3A_20], %broadcast_in_dim3A_8 {strides = array<i32>} : memref<320xi32, #tpu.memory_space<vmem>>, vector<16xi32>,
      %swap3A_22 = arith.constant 48 : index
      %swap3A_23 = tpu.vector_load %arg8[%swap3A_22] {strides = array<i32>} : memref<320xi32, #tpu.memory_space<vmem>>, vector<16xi32>,
      tpu.vector_store %arg8[%swap3A_22], %broadcast_in_dim3A_8 {strides = array<i32>} : memref<320xi32, #tpu.memory_space<vmem>>, vector<16xi32>,
      %swap3A_24 = arith.constant 64 : index
      %swap3A_25 = tpu.vector_load %arg7[%swap3A_24] {strides = array<i32>} : memref<320xi32, #tpu.memory_space<vmem>>, vector<16xi32>,
      tpu.vector_store %arg7[%swap3A_24], %broadcast_in_dim3A_8 {strides = array<i32>} : memref<320xi32, #tpu.memory_space<vmem>>, vector<16xi32>,
      %swap3A_26 = arith.constant 64 : index
      %swap3A_27 = tpu.vector_load %arg8[%swap3A_26] {strides = array<i32>} : memref<320xi32, #tpu.memory_space<vmem>>, vector<16xi32>,
      tpu.vector_store %arg8[%swap3A_26], %broadcast_in_dim3A_8 {strides = array<i32>} : memref<320xi32, #tpu.memory_space<vmem>>, vector<16xi32>,
      %swap3A_28 = arith.constant 80 : index
      %swap3A_29 = tpu.vector_load %arg7[%swap3A_28] {strides = array<i32>} : memref<320xi32, #tpu.memory_space<vmem>>, vector<16xi32>,
      tpu.vector_store %arg7[%swap3A_28], %broadcast_in_dim3A_8 {strides = array<i32>} : memref<320xi32, #tpu.memory_space<vmem>>, vector<16xi32>,
      %swap3A_30 = arith.constant 80 : index
      %swap3A_31 = tpu.vector_load %arg8[%swap3A_30] {strides = array<i32>} : memref<320xi32, #tpu.memory_space<vmem>>, vector<16xi32>,
      tpu.vector_store %arg8[%swap3A_30], %broadcast_in_dim3A_8 {strides = array<i32>} : memref<320xi32, #tpu.memory_space<vmem>>, vector<16xi32>,
      %swap3A_32 = arith.constant 96 : index
      %swap3A_33 = tpu.vector_load %arg7[%swap3A_32] {strides = array<i32>} : memref<320xi32, #tpu.memory_space<vmem>>, vector<16xi32>,
      tpu.vector_store %arg7[%swap3A_32], %broadcast_in_dim3A_8 {strides = array<i32>} : memref<320xi32, #tpu.memory_space<vmem>>, vector<16xi32>,
      %swap3A_34 = arith.constant 96 : index
      %swap3A_35 = tpu.vector_load %arg8[%swap3A_34] {strides = array<i32>} : memref<320xi32, #tpu.memory_space<vmem>>, vector<16xi32>,
      tpu.vector_store %arg8[%swap3A_34], %broadcast_in_dim3A_8 {strides = array<i32>} : memref<320xi32, #tpu.memory_space<vmem>>, vector<16xi32>,
      %swap3A_36 = arith.constant 112 : index
      %swap3A_37 = tpu.vector_load %arg7[%swap3A_36] {strides = array<i32>} : memref<320xi32, #tpu.memory_space<vmem>>, vector<16xi32>,
      tpu.vector_store %arg7[%swap3A_36], %broadcast_in_dim3A_8 {strides = array<i32>} : memref<320xi32, #tpu.memory_space<vmem>>, vector<16xi32>,
      %swap3A_38 = arith.constant 112 : index
      %swap3A_39 = tpu.vector_load %arg8[%swap3A_38] {strides = array<i32>} : memref<320xi32, #tpu.memory_space<vmem>>, vector<16xi32>,
      tpu.vector_store %arg8[%swap3A_38], %broadcast_in_dim3A_8 {strides = array<i32>} : memref<320xi32, #tpu.memory_space<vmem>>, vector<16xi32>,
      %swap3A_40 = arith.constant 128 : index
      %swap3A_41 = tpu.vector_load %arg7[%swap3A_40] {strides = array<i32>} : memref<320xi32, #tpu.memory_space<vmem>>, vector<16xi32>,
      tpu.vector_store %arg7[%swap3A_40], %broadcast_in_dim3A_8 {strides = array<i32>} : memref<320xi32, #tpu.memory_space<vmem>>, vector<16xi32>,
      %swap3A_42 = arith.constant 128 : index
      %swap3A_43 = tpu.vector_load %arg8[%swap3A_42] {strides = array<i32>} : memref<320xi32, #tpu.memory_space<vmem>>, vector<16xi32>,
      tpu.vector_store %arg8[%swap3A_42], %broadcast_in_dim3A_8 {strides = array<i32>} : memref<320xi32, #tpu.memory_space<vmem>>, vector<16xi32>,
      %swap3A_44 = arith.constant 144 : index
      %swap3A_45 = tpu.vector_load %arg7[%swap3A_44] {strides = array<i32>} : memref<320xi32, #tpu.memory_space<vmem>>, vector<16xi32>,
      tpu.vector_store %arg7[%swap3A_44], %broadcast_in_dim3A_8 {strides = array<i32>} : memref<320xi32, #tpu.memory_space<vmem>>, vector<16xi32>,
      %swap3A_46 = arith.constant 144 : index
      %swap3A_47 = tpu.vector_load %arg8[%swap3A_46] {strides = array<i32>} : memref<320xi32, #tpu.memory_space<vmem>>, vector<16xi32>,
      tpu.vector_store %arg8[%swap3A_46], %broadcast_in_dim3A_8 {strides = array<i32>} : memref<320xi32, #tpu.memory_space<vmem>>, vector<16xi32>,
      %swap3A_48 = arith.constant 160 : index
      %swap3A_49 = tpu.vector_load %arg7[%swap3A_48] {strides = array<i32>} : memref<320xi32, #tpu.memory_space<vmem>>, vector<16xi32>,
      tpu.vector_store %arg7[%swap3A_48], %broadcast_in_dim3A_8 {strides = array<i32>} : memref<320xi32, #tpu.memory_space<vmem>>, vector<16xi32>,
      %swap3A_50 = arith.constant 160 : index
      %swap3A_51 = tpu.vector_load %arg8[%swap3A_50] {strides = array<i32>} : memref<320xi32, #tpu.memory_space<vmem>>, vector<16xi32>,
      tpu.vector_store %arg8[%swap3A_50], %broadcast_in_dim3A_8 {strides = array<i32>} : memref<320xi32, #tpu.memory_space<vmem>>, vector<16xi32>,
      %swap3A_52 = arith.constant 176 : index
      %swap3A_53 = tpu.vector_load %arg7[%swap3A_52] {strides = array<i32>} : memref<320xi32, #tpu.memory_space<vmem>>, vector<16xi32>,
      tpu.vector_store %arg7[%swap3A_52], %broadcast_in_dim3A_8 {strides = array<i32>} : memref<320xi32, #tpu.memory_space<vmem>>, vector<16xi32>,
      %swap3A_54 = arith.constant 176 : index
      %swap3A_55 = tpu.vector_load %arg8[%swap3A_54] {strides = array<i32>} : memref<320xi32, #tpu.memory_space<vmem>>, vector<16xi32>,
      tpu.vector_store %arg8[%swap3A_54], %broadcast_in_dim3A_8 {strides = array<i32>} : memref<320xi32, #tpu.memory_space<vmem>>, vector<16xi32>,
      %swap3A_56 = arith.constant 192 : index
      %swap3A_57 = tpu.vector_load %arg7[%swap3A_56] {strides = array<i32>} : memref<320xi32, #tpu.memory_space<vmem>>, vector<16xi32>,
      tpu.vector_store %arg7[%swap3A_56], %broadcast_in_dim3A_8 {strides = array<i32>} : memref<320xi32, #tpu.memory_space<vmem>>, vector<16xi32>,
      %swap3A_58 = arith.constant 192 : index
      %swap3A_59 = tpu.vector_load %arg8[%swap3A_58] {strides = array<i32>} : memref<320xi32, #tpu.memory_space<vmem>>, vector<16xi32>,
      tpu.vector_store %arg8[%swap3A_58], %broadcast_in_dim3A_8 {strides = array<i32>} : memref<320xi32, #tpu.memory_space<vmem>>, vector<16xi32>,
      %swap3A_60 = arith.constant 208 : index
      %swap3A_61 = tpu.vector_load %arg7[%swap3A_60] {strides = array<i32>} : memref<320xi32, #tpu.memory_space<vmem>>, vector<16xi32>,
      tpu.vector_store %arg7[%swap3A_60], %broadcast_in_dim3A_8 {strides = array<i32>} : memref<320xi32, #tpu.memory_space<vmem>>, vector<16xi32>,
      %swap3A_62 = arith.constant 208 : index
      %swap3A_63 = tpu.vector_load %arg8[%swap3A_62] {strides = array<i32>} : memref<320xi32, #tpu.memory_space<vmem>>, vector<16xi32>,
      tpu.vector_store %arg8[%swap3A_62], %broadcast_in_dim3A_8 {strides = array<i32>} : memref<320xi32, #tpu.memory_space<vmem>>, vector<16xi32>,
      %swap3A_64 = arith.constant 224 : index
      %swap3A_65 = tpu.vector_load %arg7[%swap3A_64] {strides = array<i32>} : memref<320xi32, #tpu.memory_space<vmem>>, vector<16xi32>,
      tpu.vector_store %arg7[%swap3A_64], %broadcast_in_dim3A_8 {strides = array<i32>} : memref<320xi32, #tpu.memory_space<vmem>>, vector<16xi32>,
      %swap3A_66 = arith.constant 224 : index
      %swap3A_67 = tpu.vector_load %arg8[%swap3A_66] {strides = array<i32>} : memref<320xi32, #tpu.memory_space<vmem>>, vector<16xi32>,
      tpu.vector_store %arg8[%swap3A_66], %broadcast_in_dim3A_8 {strides = array<i32>} : memref<320xi32, #tpu.memory_space<vmem>>, vector<16xi32>,
      %swap3A_68 = arith.constant 240 : index
      %swap3A_69 = tpu.vector_load %arg7[%swap3A_68] {strides = array<i32>} : memref<320xi32, #tpu.memory_space<vmem>>, vector<16xi32>,
      tpu.vector_store %arg7[%swap3A_68], %broadcast_in_dim3A_8 {strides = array<i32>} : memref<320xi32, #tpu.memory_space<vmem>>, vector<16xi32>,
      %swap3A_70 = arith.constant 240 : index
      %swap3A_71 = tpu.vector_load %arg8[%swap3A_70] {strides = array<i32>} : memref<320xi32, #tpu.memory_space<vmem>>, vector<16xi32>,
      tpu.vector_store %arg8[%swap3A_70], %broadcast_in_dim3A_8 {strides = array<i32>} : memref<320xi32, #tpu.memory_space<vmem>>, vector<16xi32>,
      %swap3A_72 = arith.constant 256 : index
      %swap3A_73 = tpu.vector_load %arg7[%swap3A_72] {strides = array<i32>} : memref<320xi32, #tpu.memory_space<vmem>>, vector<16xi32>,
      tpu.vector_store %arg7[%swap3A_72], %broadcast_in_dim3A_8 {strides = array<i32>} : memref<320xi32, #tpu.memory_space<vmem>>, vector<16xi32>,
      %swap3A_74 = arith.constant 256 : index
      %swap3A_75 = tpu.vector_load %arg8[%swap3A_74] {strides = array<i32>} : memref<320xi32, #tpu.memory_space<vmem>>, vector<16xi32>,
      tpu.vector_store %arg8[%swap3A_74], %broadcast_in_dim3A_8 {strides = array<i32>} : memref<320xi32, #tpu.memory_space<vmem>>, vector<16xi32>,
      %swap3A_76 = arith.constant 272 : index
      %swap3A_77 = tpu.vector_load %arg7[%swap3A_76] {strides = array<i32>} : memref<320xi32, #tpu.memory_space<vmem>>, vector<16xi32>,
      tpu.vector_store %arg7[%swap3A_76], %broadcast_in_dim3A_8 {strides = array<i32>} : memref<320xi32, #tpu.memory_space<vmem>>, vector<16xi32>,
      %swap3A_78 = arith.constant 272 : index
      %swap3A_79 = tpu.vector_load %arg8[%swap3A_78] {strides = array<i32>} : memref<320xi32, #tpu.memory_space<vmem>>, vector<16xi32>,
      tpu.vector_store %arg8[%swap3A_78], %broadcast_in_dim3A_8 {strides = array<i32>} : memref<320xi32, #tpu.memory_space<vmem>>, vector<16xi32>,
      %swap3A_80 = arith.constant 288 : index
      %swap3A_81 = tpu.vector_load %arg7[%swap3A_80] {strides = array<i32>} : memref<320xi32, #tpu.memory_space<vmem>>, vector<16xi32>,
      tpu.vector_store %arg7[%swap3A_80], %broadcast_in_dim3A_8 {strides = array<i32>} : memref<320xi32, #tpu.memory_space<vmem>>, vector<16xi32>,
      %swap3A_82 = arith.constant 288 : index
      %swap3A_83 = tpu.vector_load %arg8[%swap3A_82] {strides = array<i32>} : memref<320xi32, #tpu.memory_space<vmem>>, vector<16xi32>,
      tpu.vector_store %arg8[%swap3A_82], %broadcast_in_dim3A_8 {strides = array<i32>} : memref<320xi32, #tpu.memory_space<vmem>>, vector<16xi32>,
      %swap3A_84 = arith.constant 304 : index
      %swap3A_85 = tpu.vector_load %arg7[%swap3A_84] {strides = array<i32>} : memref<320xi32, #tpu.memory_space<vmem>>, vector<16xi32>,
      tpu.vector_store %arg7[%swap3A_84], %broadcast_in_dim3A_8 {strides = array<i32>} : memref<320xi32, #tpu.memory_space<vmem>>, vector<16xi32>,
      %swap3A_86 = arith.constant 304 : index
      %swap3A_87 = tpu.vector_load %arg8[%swap3A_86] {strides = array<i32>} : memref<320xi32, #tpu.memory_space<vmem>>, vector<16xi32>,
      tpu.vector_store %arg8[%swap3A_86], %broadcast_in_dim3A_8 {strides = array<i32>} : memref<320xi32, #tpu.memory_space<vmem>>, vector<16xi32>,
      %broadcast_in_dim3A_88 = arith.constant 1 : i32
      %broadcast_in_dim3A_89 = vector.broadcast %broadcast_in_dim3A_88 : i32 to vector<16xi32>
      %get3A = arith.constant 0 : index
      %get3A_90 = tpu.vector_load %arg5[%get3A] {strides = array<i32>} : memref<512xi32, #tpu.memory_space<vmem>>, vector<16xi32>,
      tpu.vector_store_idx %arg7[%get3A_90], %broadcast_in_dim3A_89 {add = true} : memref<320xi32, #tpu.memory_space<vmem>>[vector<16xi32>], vector<16xi32>,
      %get3A_91 = arith.constant 0 : index
      %get3A_92 = tpu.vector_load %arg6[%get3A_91] {strides = array<i32>} : memref<512xi32, #tpu.memory_space<vmem>>, vector<16xi32>,
      tpu.vector_store_idx %arg8[%get3A_92], %broadcast_in_dim3A_89 {add = true} : memref<320xi32, #tpu.memory_space<vmem>>[vector<16xi32>], vector<16xi32>,
      %get3A_93 = arith.constant 16 : index
      %get3A_94 = tpu.vector_load %arg5[%get3A_93] {strides = array<i32>} : memref<512xi32, #tpu.memory_space<vmem>>, vector<16xi32>,
      tpu.vector_store_idx %arg7[%get3A_94], %broadcast_in_dim3A_89 {add = true} : memref<320xi32, #tpu.memory_space<vmem>>[vector<16xi32>], vector<16xi32>,
      %get3A_95 = arith.constant 16 : index
      %get3A_96 = tpu.vector_load %arg6[%get3A_95] {strides = array<i32>} : memref<512xi32, #tpu.memory_space<vmem>>, vector<16xi32>,
      tpu.vector_store_idx %arg8[%get3A_96], %broadcast_in_dim3A_89 {add = true} : memref<320xi32, #tpu.memory_space<vmem>>[vector<16xi32>], vector<16xi32>,
      %get3A_97 = arith.constant 32 : index
      %get3A_98 = tpu.vector_load %arg5[%get3A_97] {strides = array<i32>} : memref<512xi32, #tpu.memory_space<vmem>>, vector<16xi32>,
      tpu.vector_store_idx %arg7[%get3A_98], %broadcast_in_dim3A_89 {add = true} : memref<320xi32, #tpu.memory_space<vmem>>[vector<16xi32>], vector<16xi32>,
      %get3A_99 = arith.constant 32 : index
      %get3A_100 = tpu.vector_load %arg6[%get3A_99] {strides = array<i32>} : memref<512xi32, #tpu.memory_space<vmem>>, vector<16xi32>,
      tpu.vector_store_idx %arg8[%get3A_100], %broadcast_in_dim3A_89 {add = true} : memref<320xi32, #tpu.memory_space<vmem>>[vector<16xi32>], vector<16xi32>,
      %get3A_101 = arith.constant 48 : index
      %get3A_102 = tpu.vector_load %arg5[%get3A_101] {strides = array<i32>} : memref<512xi32, #tpu.memory_space<vmem>>, vector<16xi32>,
      tpu.vector_store_idx %arg7[%get3A_102], %broadcast_in_dim3A_89 {add = true} : memref<320xi32, #tpu.memory_space<vmem>>[vector<16xi32>], vector<16xi32>,
      %get3A_103 = arith.constant 48 : index
      %get3A_104 = tpu.vector_load %arg6[%get3A_103] {strides = array<i32>} : memref<512xi32, #tpu.memory_space<vmem>>, vector<16xi32>,
      tpu.vector_store_idx %arg8[%get3A_104], %broadcast_in_dim3A_89 {add = true} : memref<320xi32, #tpu.memory_space<vmem>>[vector<16xi32>], vector<16xi32>,
      %get3A_105 = arith.constant 64 : index
      %get3A_106 = tpu.vector_load %arg5[%get3A_105] {strides = array<i32>} : memref<512xi32, #tpu.memory_space<vmem>>, vector<16xi32>,
      tpu.vector_store_idx %arg7[%get3A_106], %broadcast_in_dim3A_89 {add = true} : memref<320xi32, #tpu.memory_space<vmem>>[vector<16xi32>], vector<16xi32>,
      %get3A_107 = arith.constant 64 : index
      %get3A_108 = tpu.vector_load %arg6[%get3A_107] {strides = array<i32>} : memref<512xi32, #tpu.memory_space<vmem>>, vector<16xi32>,
      tpu.vector_store_idx %arg8[%get3A_108], %broadcast_in_dim3A_89 {add = true} : memref<320xi32, #tpu.memory_space<vmem>>[vector<16xi32>], vector<16xi32>,
      %get3A_109 = arith.constant 80 : index
      %get3A_110 = tpu.vector_load %arg5[%get3A_109] {strides = array<i32>} : memref<512xi32, #tpu.memory_space<vmem>>, vector<16xi32>,
      tpu.vector_store_idx %arg7[%get3A_110], %broadcast_in_dim3A_89 {add = true} : memref<320xi32, #tpu.memory_space<vmem>>[vector<16xi32>], vector<16xi32>,
      %get3A_111 = arith.constant 80 : index
      %get3A_112 = tpu.vector_load %arg6[%get3A_111] {strides = array<i32>} : memref<512xi32, #tpu.memory_space<vmem>>, vector<16xi32>,
      tpu.vector_store_idx %arg8[%get3A_112], %broadcast_in_dim3A_89 {add = true} : memref<320xi32, #tpu.memory_space<vmem>>[vector<16xi32>], vector<16xi32>,
      %get3A_113 = arith.constant 96 : index
      %get3A_114 = tpu.vector_load %arg5[%get3A_113] {strides = array<i32>} : memref<512xi32, #tpu.memory_space<vmem>>, vector<16xi32>,
      tpu.vector_store_idx %arg7[%get3A_114], %broadcast_in_dim3A_89 {add = true} : memref<320xi32, #tpu.memory_space<vmem>>[vector<16xi32>], vector<16xi32>,
      %get3A_115 = arith.constant 96 : index
      %get3A_116 = tpu.vector_load %arg6[%get3A_115] {strides = array<i32>} : memref<512xi32, #tpu.memory_space<vmem>>, vector<16xi32>,
      tpu.vector_store_idx %arg8[%get3A_116], %broadcast_in_dim3A_89 {add = true} : memref<320xi32, #tpu.memory_space<vmem>>[vector<16xi32>], vector<16xi32>,
      %get3A_117 = arith.constant 112 : index
      %get3A_118 = tpu.vector_load %arg5[%get3A_117] {strides = array<i32>} : memref<512xi32, #tpu.memory_space<vmem>>, vector<16xi32>,
      tpu.vector_store_idx %arg7[%get3A_118], %broadcast_in_dim3A_89 {add = true} : memref<320xi32, #tpu.memory_space<vmem>>[vector<16xi32>], vector<16xi32>,
      %get3A_119 = arith.constant 112 : index
      %get3A_120 = tpu.vector_load %arg6[%get3A_119] {strides = array<i32>} : memref<512xi32, #tpu.memory_space<vmem>>, vector<16xi32>,
      tpu.vector_store_idx %arg8[%get3A_120], %broadcast_in_dim3A_89 {add = true} : memref<320xi32, #tpu.memory_space<vmem>>[vector<16xi32>], vector<16xi32>,
      %get3A_121 = arith.constant 128 : index
      %get3A_122 = tpu.vector_load %arg5[%get3A_121] {strides = array<i32>} : memref<512xi32, #tpu.memory_space<vmem>>, vector<16xi32>,
      tpu.vector_store_idx %arg7[%get3A_122], %broadcast_in_dim3A_89 {add = true} : memref<320xi32, #tpu.memory_space<vmem>>[vector<16xi32>], vector<16xi32>,
      %get3A_123 = arith.constant 128 : index
      %get3A_124 = tpu.vector_load %arg6[%get3A_123] {strides = array<i32>} : memref<512xi32, #tpu.memory_space<vmem>>, vector<16xi32>,
      tpu.vector_store_idx %arg8[%get3A_124], %broadcast_in_dim3A_89 {add = true} : memref<320xi32, #tpu.memory_space<vmem>>[vector<16xi32>], vector<16xi32>,
      %get3A_125 = arith.constant 144 : index
      %get3A_126 = tpu.vector_load %arg5[%get3A_125] {strides = array<i32>} : memref<512xi32, #tpu.memory_space<vmem>>, vector<16xi32>,
      tpu.vector_store_idx %arg7[%get3A_126], %broadcast_in_dim3A_89 {add = true} : memref<320xi32, #tpu.memory_space<vmem>>[vector<16xi32>], vector<16xi32>,
      %get3A_127 = arith.constant 144 : index
      %get3A_128 = tpu.vector_load %arg6[%get3A_127] {strides = array<i32>} : memref<512xi32, #tpu.memory_space<vmem>>, vector<16xi32>,
      tpu.vector_store_idx %arg8[%get3A_128], %broadcast_in_dim3A_89 {add = true} : memref<320xi32, #tpu.memory_space<vmem>>[vector<16xi32>], vector<16xi32>,
      %get3A_129 = arith.constant 160 : index
      %get3A_130 = tpu.vector_load %arg5[%get3A_129] {strides = array<i32>} : memref<512xi32, #tpu.memory_space<vmem>>, vector<16xi32>,
      tpu.vector_store_idx %arg7[%get3A_130], %broadcast_in_dim3A_89 {add = true} : memref<320xi32, #tpu.memory_space<vmem>>[vector<16xi32>], vector<16xi32>,
      %get3A_131 = arith.constant 160 : index
      %get3A_132 = tpu.vector_load %arg6[%get3A_131] {strides = array<i32>} : memref<512xi32, #tpu.memory_space<vmem>>, vector<16xi32>,
      tpu.vector_store_idx %arg8[%get3A_132], %broadcast_in_dim3A_89 {add = true} : memref<320xi32, #tpu.memory_space<vmem>>[vector<16xi32>], vector<16xi32>,
      %get3A_133 = arith.constant 176 : index
      %get3A_134 = tpu.vector_load %arg5[%get3A_133] {strides = array<i32>} : memref<512xi32, #tpu.memory_space<vmem>>, vector<16xi32>,
      tpu.vector_store_idx %arg7[%get3A_134], %broadcast_in_dim3A_89 {add = true} : memref<320xi32, #tpu.memory_space<vmem>>[vector<16xi32>], vector<16xi32>,
      %get3A_135 = arith.constant 176 : index
      %get3A_136 = tpu.vector_load %arg6[%get3A_135] {strides = array<i32>} : memref<512xi32, #tpu.memory_space<vmem>>, vector<16xi32>,
      tpu.vector_store_idx %arg8[%get3A_136], %broadcast_in_dim3A_89 {add = true} : memref<320xi32, #tpu.memory_space<vmem>>[vector<16xi32>], vector<16xi32>,
      %get3A_137 = arith.constant 192 : index
      %get3A_138 = tpu.vector_load %arg5[%get3A_137] {strides = array<i32>} : memref<512xi32, #tpu.memory_space<vmem>>, vector<16xi32>,
      tpu.vector_store_idx %arg7[%get3A_138], %broadcast_in_dim3A_89 {add = true} : memref<320xi32, #tpu.memory_space<vmem>>[vector<16xi32>], vector<16xi32>,
      %get3A_139 = arith.constant 192 : index
      %get3A_140 = tpu.vector_load %arg6[%get3A_139] {strides = array<i32>} : memref<512xi32, #tpu.memory_space<vmem>>, vector<16xi32>,
      tpu.vector_store_idx %arg8[%get3A_140], %broadcast_in_dim3A_89 {add = true} : memref<320xi32, #tpu.memory_space<vmem>>[vector<16xi32>], vector<16xi32>,
      %get3A_141 = arith.constant 208 : index
      %get3A_142 = tpu.vector_load %arg5[%get3A_141] {strides = array<i32>} : memref<512xi32, #tpu.memory_space<vmem>>, vector<16xi32>,
      tpu.vector_store_idx %arg7[%get3A_142], %broadcast_in_dim3A_89 {add = true} : memref<320xi32, #tpu.memory_space<vmem>>[vector<16xi32>], vector<16xi32>,
      %get3A_143 = arith.constant 208 : index
      %get3A_144 = tpu.vector_load %arg6[%get3A_143] {strides = array<i32>} : memref<512xi32, #tpu.memory_space<vmem>>, vector<16xi32>,
      tpu.vector_store_idx %arg8[%get3A_144], %broadcast_in_dim3A_89 {add = true} : memref<320xi32, #tpu.memory_space<vmem>>[vector<16xi32>], vector<16xi32>,
      %get3A_145 = arith.constant 224 : index
      %get3A_146 = tpu.vector_load %arg5[%get3A_145] {strides = array<i32>} : memref<512xi32, #tpu.memory_space<vmem>>, vector<16xi32>,
      tpu.vector_store_idx %arg7[%get3A_146], %broadcast_in_dim3A_89 {add = true} : memref<320xi32, #tpu.memory_space<vmem>>[vector<16xi32>], vector<16xi32>,
      %get3A_147 = arith.constant 224 : index
      %get3A_148 = tpu.vector_load %arg6[%get3A_147] {strides = array<i32>} : memref<512xi32, #tpu.memory_space<vmem>>, vector<16xi32>,
      tpu.vector_store_idx %arg8[%get3A_148], %broadcast_in_dim3A_89 {add = true} : memref<320xi32, #tpu.memory_space<vmem>>[vector<16xi32>], vector<16xi32>,
      %get3A_149 = arith.constant 240 : index
      %get3A_150 = tpu.vector_load %arg5[%get3A_149] {strides = array<i32>} : memref<512xi32, #tpu.memory_space<vmem>>, vector<16xi32>,
      tpu.vector_store_idx %arg7[%get3A_150], %broadcast_in_dim3A_89 {add = true} : memref<320xi32, #tpu.memory_space<vmem>>[vector<16xi32>], vector<16xi32>,
      %get3A_151 = arith.constant 240 : index
      %get3A_152 = tpu.vector_load %arg6[%get3A_151] {strides = array<i32>} : memref<512xi32, #tpu.memory_space<vmem>>, vector<16xi32>,
      tpu.vector_store_idx %arg8[%get3A_152], %broadcast_in_dim3A_89 {add = true} : memref<320xi32, #tpu.memory_space<vmem>>[vector<16xi32>], vector<16xi32>,
      %get3A_153 = arith.constant 256 : index
      %get3A_154 = tpu.vector_load %arg5[%get3A_153] {strides = array<i32>} : memref<512xi32, #tpu.memory_space<vmem>>, vector<16xi32>,
      tpu.vector_store_idx %arg7[%get3A_154], %broadcast_in_dim3A_89 {add = true} : memref<320xi32, #tpu.memory_space<vmem>>[vector<16xi32>], vector<16xi32>,
      %get3A_155 = arith.constant 256 : index
      %get3A_156 = tpu.vector_load %arg6[%get3A_155] {strides = array<i32>} : memref<512xi32, #tpu.memory_space<vmem>>, vector<16xi32>,
      tpu.vector_store_idx %arg8[%get3A_156], %broadcast_in_dim3A_89 {add = true} : memref<320xi32, #tpu.memory_space<vmem>>[vector<16xi32>], vector<16xi32>,
      %get3A_157 = arith.constant 272 : index
      %get3A_158 = tpu.vector_load %arg5[%get3A_157] {strides = array<i32>} : memref<512xi32, #tpu.memory_space<vmem>>, vector<16xi32>,
      tpu.vector_store_idx %arg7[%get3A_158], %broadcast_in_dim3A_89 {add = true} : memref<320xi32, #tpu.memory_space<vmem>>[vector<16xi32>], vector<16xi32>,
      %get3A_159 = arith.constant 272 : index
      %get3A_160 = tpu.vector_load %arg6[%get3A_159] {strides = array<i32>} : memref<512xi32, #tpu.memory_space<vmem>>, vector<16xi32>,
      tpu.vector_store_idx %arg8[%get3A_160], %broadcast_in_dim3A_89 {add = true} : memref<320xi32, #tpu.memory_space<vmem>>[vector<16xi32>], vector<16xi32>,
      %get3A_161 = arith.constant 288 : index
      %get3A_162 = tpu.vector_load %arg5[%get3A_161] {strides = array<i32>} : memref<512xi32, #tpu.memory_space<vmem>>, vector<16xi32>,
      tpu.vector_store_idx %arg7[%get3A_162], %broadcast_in_dim3A_89 {add = true} : memref<320xi32, #tpu.memory_space<vmem>>[vector<16xi32>], vector<16xi32>,
      %get3A_163 = arith.constant 288 : index
      %get3A_164 = tpu.vector_load %arg6[%get3A_163] {strides = array<i32>} : memref<512xi32, #tpu.memory_space<vmem>>, vector<16xi32>,
      tpu.vector_store_idx %arg8[%get3A_164], %broadcast_in_dim3A_89 {add = true} : memref<320xi32, #tpu.memory_space<vmem>>[vector<16xi32>], vector<16xi32>,
      %get3A_165 = arith.constant 304 : index
      %get3A_166 = tpu.vector_load %arg5[%get3A_165] {strides = array<i32>} : memref<512xi32, #tpu.memory_space<vmem>>, vector<16xi32>,
      tpu.vector_store_idx %arg7[%get3A_166], %broadcast_in_dim3A_89 {add = true} : memref<320xi32, #tpu.memory_space<vmem>>[vector<16xi32>], vector<16xi32>,
      %get3A_167 = arith.constant 304 : index
      %get3A_168 = tpu.vector_load %arg6[%get3A_167] {strides = array<i32>} : memref<512xi32, #tpu.memory_space<vmem>>, vector<16xi32>,
      tpu.vector_store_idx %arg8[%get3A_168], %broadcast_in_dim3A_89 {add = true} : memref<320xi32, #tpu.memory_space<vmem>>[vector<16xi32>], vector<16xi32>,
      %get3A_169 = arith.constant 320 : index
      %get3A_170 = tpu.vector_load %arg5[%get3A_169] {strides = array<i32>} : memref<512xi32, #tpu.memory_space<vmem>>, vector<16xi32>,
      tpu.vector_store_idx %arg7[%get3A_170], %broadcast_in_dim3A_89 {add = true} : memref<320xi32, #tpu.memory_space<vmem>>[vector<16xi32>], vector<16xi32>,
      %get3A_171 = arith.constant 320 : index
      %get3A_172 = tpu.vector_load %arg6[%get3A_171] {strides = array<i32>} : memref<512xi32, #tpu.memory_space<vmem>>, vector<16xi32>,
      tpu.vector_store_idx %arg8[%get3A_172], %broadcast_in_dim3A_89 {add = true} : memref<320xi32, #tpu.memory_space<vmem>>[vector<16xi32>], vector<16xi32>,
      %get3A_173 = arith.constant 336 : index
      %get3A_174 = tpu.vector_load %arg5[%get3A_173] {strides = array<i32>} : memref<512xi32, #tpu.memory_space<vmem>>, vector<16xi32>,
      tpu.vector_store_idx %arg7[%get3A_174], %broadcast_in_dim3A_89 {add = true} : memref<320xi32, #tpu.memory_space<vmem>>[vector<16xi32>], vector<16xi32>,
      %get3A_175 = arith.constant 336 : index
      %get3A_176 = tpu.vector_load %arg6[%get3A_175] {strides = array<i32>} : memref<512xi32, #tpu.memory_space<vmem>>, vector<16xi32>,
      tpu.vector_store_idx %arg8[%get3A_176], %broadcast_in_dim3A_89 {add = true} : memref<320xi32, #tpu.memory_space<vmem>>[vector<16xi32>], vector<16xi32>,
      %get3A_177 = arith.constant 352 : index
      %get3A_178 = tpu.vector_load %arg5[%get3A_177] {strides = array<i32>} : memref<512xi32, #tpu.memory_space<vmem>>, vector<16xi32>,
      tpu.vector_store_idx %arg7[%get3A_178], %broadcast_in_dim3A_89 {add = true} : memref<320xi32, #tpu.memory_space<vmem>>[vector<16xi32>], vector<16xi32>,
      %get3A_179 = arith.constant 352 : index
      %get3A_180 = tpu.vector_load %arg6[%get3A_179] {strides = array<i32>} : memref<512xi32, #tpu.memory_space<vmem>>, vector<16xi32>,
      tpu.vector_store_idx %arg8[%get3A_180], %broadcast_in_dim3A_89 {add = true} : memref<320xi32, #tpu.memory_space<vmem>>[vector<16xi32>], vector<16xi32>,
      %get3A_181 = arith.constant 368 : index
      %get3A_182 = tpu.vector_load %arg5[%get3A_181] {strides = array<i32>} : memref<512xi32, #tpu.memory_space<vmem>>, vector<16xi32>,
      tpu.vector_store_idx %arg7[%get3A_182], %broadcast_in_dim3A_89 {add = true} : memref<320xi32, #tpu.memory_space<vmem>>[vector<16xi32>], vector<16xi32>,
      %get3A_183 = arith.constant 368 : index
      %get3A_184 = tpu.vector_load %arg6[%get3A_183] {strides = array<i32>} : memref<512xi32, #tpu.memory_space<vmem>>, vector<16xi32>,
      tpu.vector_store_idx %arg8[%get3A_184], %broadcast_in_dim3A_89 {add = true} : memref<320xi32, #tpu.memory_space<vmem>>[vector<16xi32>], vector<16xi32>,
      %get3A_185 = arith.constant 384 : index
      %get3A_186 = tpu.vector_load %arg5[%get3A_185] {strides = array<i32>} : memref<512xi32, #tpu.memory_space<vmem>>, vector<16xi32>,
      tpu.vector_store_idx %arg7[%get3A_186], %broadcast_in_dim3A_89 {add = true} : memref<320xi32, #tpu.memory_space<vmem>>[vector<16xi32>], vector<16xi32>,
      %get3A_187 = arith.constant 384 : index
      %get3A_188 = tpu.vector_load %arg6[%get3A_187] {strides = array<i32>} : memref<512xi32, #tpu.memory_space<vmem>>, vector<16xi32>,
      tpu.vector_store_idx %arg8[%get3A_188], %broadcast_in_dim3A_89 {add = true} : memref<320xi32, #tpu.memory_space<vmem>>[vector<16xi32>], vector<16xi32>,
      %get3A_189 = arith.constant 400 : index
      %get3A_190 = tpu.vector_load %arg5[%get3A_189] {strides = array<i32>} : memref<512xi32, #tpu.memory_space<vmem>>, vector<16xi32>,
      tpu.vector_store_idx %arg7[%get3A_190], %broadcast_in_dim3A_89 {add = true} : memref<320xi32, #tpu.memory_space<vmem>>[vector<16xi32>], vector<16xi32>,
      %get3A_191 = arith.constant 400 : index
      %get3A_192 = tpu.vector_load %arg6[%get3A_191] {strides = array<i32>} : memref<512xi32, #tpu.memory_space<vmem>>, vector<16xi32>,
      tpu.vector_store_idx %arg8[%get3A_192], %broadcast_in_dim3A_89 {add = true} : memref<320xi32, #tpu.memory_space<vmem>>[vector<16xi32>], vector<16xi32>,
      %get3A_193 = arith.constant 416 : index
      %get3A_194 = tpu.vector_load %arg5[%get3A_193] {strides = array<i32>} : memref<512xi32, #tpu.memory_space<vmem>>, vector<16xi32>,
      tpu.vector_store_idx %arg7[%get3A_194], %broadcast_in_dim3A_89 {add = true} : memref<320xi32, #tpu.memory_space<vmem>>[vector<16xi32>], vector<16xi32>,
      %get3A_195 = arith.constant 416 : index
      %get3A_196 = tpu.vector_load %arg6[%get3A_195] {strides = array<i32>} : memref<512xi32, #tpu.memory_space<vmem>>, vector<16xi32>,
      tpu.vector_store_idx %arg8[%get3A_196], %broadcast_in_dim3A_89 {add = true} : memref<320xi32, #tpu.memory_space<vmem>>[vector<16xi32>], vector<16xi32>,
      %get3A_197 = arith.constant 432 : index
      %get3A_198 = tpu.vector_load %arg5[%get3A_197] {strides = array<i32>} : memref<512xi32, #tpu.memory_space<vmem>>, vector<16xi32>,
      tpu.vector_store_idx %arg7[%get3A_198], %broadcast_in_dim3A_89 {add = true} : memref<320xi32, #tpu.memory_space<vmem>>[vector<16xi32>], vector<16xi32>,
      %get3A_199 = arith.constant 432 : index
      %get3A_200 = tpu.vector_load %arg6[%get3A_199] {strides = array<i32>} : memref<512xi32, #tpu.memory_space<vmem>>, vector<16xi32>,
      tpu.vector_store_idx %arg8[%get3A_200], %broadcast_in_dim3A_89 {add = true} : memref<320xi32, #tpu.memory_space<vmem>>[vector<16xi32>], vector<16xi32>,
      %get3A_201 = arith.constant 448 : index
      %get3A_202 = tpu.vector_load %arg5[%get3A_201] {strides = array<i32>} : memref<512xi32, #tpu.memory_space<vmem>>, vector<16xi32>,
      tpu.vector_store_idx %arg7[%get3A_202], %broadcast_in_dim3A_89 {add = true} : memref<320xi32, #tpu.memory_space<vmem>>[vector<16xi32>], vector<16xi32>,
      %get3A_203 = arith.constant 448 : index
      %get3A_204 = tpu.vector_load %arg6[%get3A_203] {strides = array<i32>} : memref<512xi32, #tpu.memory_space<vmem>>, vector<16xi32>,
      tpu.vector_store_idx %arg8[%get3A_204], %broadcast_in_dim3A_89 {add = true} : memref<320xi32, #tpu.memory_space<vmem>>[vector<16xi32>], vector<16xi32>,
      %get3A_205 = arith.constant 464 : index
      %get3A_206 = tpu.vector_load %arg5[%get3A_205] {strides = array<i32>} : memref<512xi32, #tpu.memory_space<vmem>>, vector<16xi32>,
      tpu.vector_store_idx %arg7[%get3A_206], %broadcast_in_dim3A_89 {add = true} : memref<320xi32, #tpu.memory_space<vmem>>[vector<16xi32>], vector<16xi32>,
      %get3A_207 = arith.constant 464 : index
      %get3A_208 = tpu.vector_load %arg6[%get3A_207] {strides = array<i32>} : memref<512xi32, #tpu.memory_space<vmem>>, vector<16xi32>,
      tpu.vector_store_idx %arg8[%get3A_208], %broadcast_in_dim3A_89 {add = true} : memref<320xi32, #tpu.memory_space<vmem>>[vector<16xi32>], vector<16xi32>,
      %get3A_209 = arith.constant 480 : index
      %get3A_210 = tpu.vector_load %arg5[%get3A_209] {strides = array<i32>} : memref<512xi32, #tpu.memory_space<vmem>>, vector<16xi32>,
      tpu.vector_store_idx %arg7[%get3A_210], %broadcast_in_dim3A_89 {add = true} : memref<320xi32, #tpu.memory_space<vmem>>[vector<16xi32>], vector<16xi32>,
      %get3A_211 = arith.constant 480 : index
      %get3A_212 = tpu.vector_load %arg6[%get3A_211] {strides = array<i32>} : memref<512xi32, #tpu.memory_space<vmem>>, vector<16xi32>,
      tpu.vector_store_idx %arg8[%get3A_212], %broadcast_in_dim3A_89 {add = true} : memref<320xi32, #tpu.memory_space<vmem>>[vector<16xi32>], vector<16xi32>,
      %get3A_213 = arith.constant 496 : index
      %get3A_214 = tpu.vector_load %arg5[%get3A_213] {strides = array<i32>} : memref<512xi32, #tpu.memory_space<vmem>>, vector<16xi32>,
      tpu.vector_store_idx %arg7[%get3A_214], %broadcast_in_dim3A_89 {add = true} : memref<320xi32, #tpu.memory_space<vmem>>[vector<16xi32>], vector<16xi32>,
      %get3A_215 = arith.constant 496 : index
      %get3A_216 = tpu.vector_load %arg6[%get3A_215] {strides = array<i32>} : memref<512xi32, #tpu.memory_space<vmem>>, vector<16xi32>,
      tpu.vector_store_idx %arg8[%get3A_216], %broadcast_in_dim3A_89 {add = true} : memref<320xi32, #tpu.memory_space<vmem>>[vector<16xi32>], vector<16xi32>,
      %get3A_217 = arith.constant 0 : index
      %get3A_218 = tpu.vector_load %arg5[%get3A_217] {strides = array<i32>} : memref<512xi32, #tpu.memory_space<vmem>>, vector<16xi32>,
      %gather3A = tpu.vector_load_idx %arg7[%get3A_218] : memref<320xi32, #tpu.memory_space<vmem>>[vector<16xi32>], vector<16xi32>,
      %get3A_219 = arith.constant 0 : index
      %get3A_220 = tpu.vector_load %arg6[%get3A_219] {strides = array<i32>} : memref<512xi32, #tpu.memory_space<vmem>>, vector<16xi32>,
      %gather3A_221 = tpu.vector_load_idx %arg8[%get3A_220] : memref<320xi32, #tpu.memory_space<vmem>>[vector<16xi32>], vector<16xi32>,
      %add3A_222 = arith.addi %gather3A, %gather3A_221 : vector<16xi32>
      %convert_element_type3A_223 = arith.sitofp %add3A_222 : vector<16xi32> to vector<16xf32>
      %swap3A_224 = arith.constant 0 : index
      %swap3A_225 = tpu.vector_load %arg9[%swap3A_224] {strides = array<i32>} : memref<512xf32, #tpu.memory_space<vmem>>, vector<16xf32>,
      tpu.vector_store %arg9[%swap3A_224], %convert_element_type3A_223 {strides = array<i32>} : memref<512xf32, #tpu.memory_space<vmem>>, vector<16xf32>,
      %get3A_226 = arith.constant 16 : index
      %get3A_227 = tpu.vector_load %arg5[%get3A_226] {strides = array<i32>} : memref<512xi32, #tpu.memory_space<vmem>>, vector<16xi32>,
      %gather3A_228 = tpu.vector_load_idx %arg7[%get3A_227] : memref<320xi32, #tpu.memory_space<vmem>>[vector<16xi32>], vector<16xi32>,
      %get3A_229 = arith.constant 16 : index
      %get3A_230 = tpu.vector_load %arg6[%get3A_229] {strides = array<i32>} : memref<512xi32, #tpu.memory_space<vmem>>, vector<16xi32>,
      %gather3A_231 = tpu.vector_load_idx %arg8[%get3A_230] : memref<320xi32, #tpu.memory_space<vmem>>[vector<16xi32>], vector<16xi32>,
      %add3A_232 = arith.addi %gather3A_228, %gather3A_231 : vector<16xi32>
      %convert_element_type3A_233 = arith.sitofp %add3A_232 : vector<16xi32> to vector<16xf32>
      %swap3A_234 = arith.constant 16 : index
      %swap3A_235 = tpu.vector_load %arg9[%swap3A_234] {strides = array<i32>} : memref<512xf32, #tpu.memory_space<vmem>>, vector<16xf32>,
      tpu.vector_store %arg9[%swap3A_234], %convert_element_type3A_233 {strides = array<i32>} : memref<512xf32, #tpu.memory_space<vmem>>, vector<16xf32>,
      %get3A_236 = arith.constant 32 : index
      %get3A_237 = tpu.vector_load %arg5[%get3A_236] {strides = array<i32>} : memref<512xi32, #tpu.memory_space<vmem>>, vector<16xi32>,
      %gather3A_238 = tpu.vector_load_idx %arg7[%get3A_237] : memref<320xi32, #tpu.memory_space<vmem>>[vector<16xi32>], vector<16xi32>,
      %get3A_239 = arith.constant 32 : index
      %get3A_240 = tpu.vector_load %arg6[%get3A_239] {strides = array<i32>} : memref<512xi32, #tpu.memory_space<vmem>>, vector<16xi32>,
      %gather3A_241 = tpu.vector_load_idx %arg8[%get3A_240] : memref<320xi32, #tpu.memory_space<vmem>>[vector<16xi32>], vector<16xi32>,
      %add3A_242 = arith.addi %gather3A_238, %gather3A_241 : vector<16xi32>
      %convert_element_type3A_243 = arith.sitofp %add3A_242 : vector<16xi32> to vector<16xf32>
      %swap3A_244 = arith.constant 32 : index
      %swap3A_245 = tpu.vector_load %arg9[%swap3A_244] {strides = array<i32>} : memref<512xf32, #tpu.memory_space<vmem>>, vector<16xf32>,
      tpu.vector_store %arg9[%swap3A_244], %convert_element_type3A_243 {strides = array<i32>} : memref<512xf32, #tpu.memory_space<vmem>>, vector<16xf32>,
      %get3A_246 = arith.constant 48 : index
      %get3A_247 = tpu.vector_load %arg5[%get3A_246] {strides = array<i32>} : memref<512xi32, #tpu.memory_space<vmem>>, vector<16xi32>,
      %gather3A_248 = tpu.vector_load_idx %arg7[%get3A_247] : memref<320xi32, #tpu.memory_space<vmem>>[vector<16xi32>], vector<16xi32>,
      %get3A_249 = arith.constant 48 : index
      %get3A_250 = tpu.vector_load %arg6[%get3A_249] {strides = array<i32>} : memref<512xi32, #tpu.memory_space<vmem>>, vector<16xi32>,
      %gather3A_251 = tpu.vector_load_idx %arg8[%get3A_250] : memref<320xi32, #tpu.memory_space<vmem>>[vector<16xi32>], vector<16xi32>,
      %add3A_252 = arith.addi %gather3A_248, %gather3A_251 : vector<16xi32>
      %convert_element_type3A_253 = arith.sitofp %add3A_252 : vector<16xi32> to vector<16xf32>
      %swap3A_254 = arith.constant 48 : index
      %swap3A_255 = tpu.vector_load %arg9[%swap3A_254] {strides = array<i32>} : memref<512xf32, #tpu.memory_space<vmem>>, vector<16xf32>,
      tpu.vector_store %arg9[%swap3A_254], %convert_element_type3A_253 {strides = array<i32>} : memref<512xf32, #tpu.memory_space<vmem>>, vector<16xf32>,
      %get3A_256 = arith.constant 64 : index
      %get3A_257 = tpu.vector_load %arg5[%get3A_256] {strides = array<i32>} : memref<512xi32, #tpu.memory_space<vmem>>, vector<16xi32>,
      %gather3A_258 = tpu.vector_load_idx %arg7[%get3A_257] : memref<320xi32, #tpu.memory_space<vmem>>[vector<16xi32>], vector<16xi32>,
      %get3A_259 = arith.constant 64 : index
      %get3A_260 = tpu.vector_load %arg6[%get3A_259] {strides = array<i32>} : memref<512xi32, #tpu.memory_space<vmem>>, vector<16xi32>,
      %gather3A_261 = tpu.vector_load_idx %arg8[%get3A_260] : memref<320xi32, #tpu.memory_space<vmem>>[vector<16xi32>], vector<16xi32>,
      %add3A_262 = arith.addi %gather3A_258, %gather3A_261 : vector<16xi32>
      %convert_element_type3A_263 = arith.sitofp %add3A_262 : vector<16xi32> to vector<16xf32>
      %swap3A_264 = arith.constant 64 : index
      %swap3A_265 = tpu.vector_load %arg9[%swap3A_264] {strides = array<i32>} : memref<512xf32, #tpu.memory_space<vmem>>, vector<16xf32>,
      tpu.vector_store %arg9[%swap3A_264], %convert_element_type3A_263 {strides = array<i32>} : memref<512xf32, #tpu.memory_space<vmem>>, vector<16xf32>,
      %get3A_266 = arith.constant 80 : index
      %get3A_267 = tpu.vector_load %arg5[%get3A_266] {strides = array<i32>} : memref<512xi32, #tpu.memory_space<vmem>>, vector<16xi32>,
      %gather3A_268 = tpu.vector_load_idx %arg7[%get3A_267] : memref<320xi32, #tpu.memory_space<vmem>>[vector<16xi32>], vector<16xi32>,
      %get3A_269 = arith.constant 80 : index
      %get3A_270 = tpu.vector_load %arg6[%get3A_269] {strides = array<i32>} : memref<512xi32, #tpu.memory_space<vmem>>, vector<16xi32>,
      %gather3A_271 = tpu.vector_load_idx %arg8[%get3A_270] : memref<320xi32, #tpu.memory_space<vmem>>[vector<16xi32>], vector<16xi32>,
      %add3A_272 = arith.addi %gather3A_268, %gather3A_271 : vector<16xi32>
      %convert_element_type3A_273 = arith.sitofp %add3A_272 : vector<16xi32> to vector<16xf32>
      %swap3A_274 = arith.constant 80 : index
      %swap3A_275 = tpu.vector_load %arg9[%swap3A_274] {strides = array<i32>} : memref<512xf32, #tpu.memory_space<vmem>>, vector<16xf32>,
      tpu.vector_store %arg9[%swap3A_274], %convert_element_type3A_273 {strides = array<i32>} : memref<512xf32, #tpu.memory_space<vmem>>, vector<16xf32>,
      %get3A_276 = arith.constant 96 : index
      %get3A_277 = tpu.vector_load %arg5[%get3A_276] {strides = array<i32>} : memref<512xi32, #tpu.memory_space<vmem>>, vector<16xi32>,
      %gather3A_278 = tpu.vector_load_idx %arg7[%get3A_277] : memref<320xi32, #tpu.memory_space<vmem>>[vector<16xi32>], vector<16xi32>,
      %get3A_279 = arith.constant 96 : index
      %get3A_280 = tpu.vector_load %arg6[%get3A_279] {strides = array<i32>} : memref<512xi32, #tpu.memory_space<vmem>>, vector<16xi32>,
      %gather3A_281 = tpu.vector_load_idx %arg8[%get3A_280] : memref<320xi32, #tpu.memory_space<vmem>>[vector<16xi32>], vector<16xi32>,
      %add3A_282 = arith.addi %gather3A_278, %gather3A_281 : vector<16xi32>
      %convert_element_type3A_283 = arith.sitofp %add3A_282 : vector<16xi32> to vector<16xf32>
      %swap3A_284 = arith.constant 96 : index
      %swap3A_285 = tpu.vector_load %arg9[%swap3A_284] {strides = array<i32>} : memref<512xf32, #tpu.memory_space<vmem>>, vector<16xf32>,
      tpu.vector_store %arg9[%swap3A_284], %convert_element_type3A_283 {strides = array<i32>} : memref<512xf32, #tpu.memory_space<vmem>>, vector<16xf32>,
      %get3A_286 = arith.constant 112 : index
      %get3A_287 = tpu.vector_load %arg5[%get3A_286] {strides = array<i32>} : memref<512xi32, #tpu.memory_space<vmem>>, vector<16xi32>,
      %gather3A_288 = tpu.vector_load_idx %arg7[%get3A_287] : memref<320xi32, #tpu.memory_space<vmem>>[vector<16xi32>], vector<16xi32>,
      %get3A_289 = arith.constant 112 : index
      %get3A_290 = tpu.vector_load %arg6[%get3A_289] {strides = array<i32>} : memref<512xi32, #tpu.memory_space<vmem>>, vector<16xi32>,
      %gather3A_291 = tpu.vector_load_idx %arg8[%get3A_290] : memref<320xi32, #tpu.memory_space<vmem>>[vector<16xi32>], vector<16xi32>,
      %add3A_292 = arith.addi %gather3A_288, %gather3A_291 : vector<16xi32>
      %convert_element_type3A_293 = arith.sitofp %add3A_292 : vector<16xi32> to vector<16xf32>
      %swap3A_294 = arith.constant 112 : index
      %swap3A_295 = tpu.vector_load %arg9[%swap3A_294] {strides = array<i32>} : memref<512xf32, #tpu.memory_space<vmem>>, vector<16xf32>,
      tpu.vector_store %arg9[%swap3A_294], %convert_element_type3A_293 {strides = array<i32>} : memref<512xf32, #tpu.memory_space<vmem>>, vector<16xf32>,
      %get3A_296 = arith.constant 128 : index
      %get3A_297 = tpu.vector_load %arg5[%get3A_296] {strides = array<i32>} : memref<512xi32, #tpu.memory_space<vmem>>, vector<16xi32>,
      %gather3A_298 = tpu.vector_load_idx %arg7[%get3A_297] : memref<320xi32, #tpu.memory_space<vmem>>[vector<16xi32>], vector<16xi32>,
      %get3A_299 = arith.constant 128 : index
      %get3A_300 = tpu.vector_load %arg6[%get3A_299] {strides = array<i32>} : memref<512xi32, #tpu.memory_space<vmem>>, vector<16xi32>,
      %gather3A_301 = tpu.vector_load_idx %arg8[%get3A_300] : memref<320xi32, #tpu.memory_space<vmem>>[vector<16xi32>], vector<16xi32>,
      %add3A_302 = arith.addi %gather3A_298, %gather3A_301 : vector<16xi32>
      %convert_element_type3A_303 = arith.sitofp %add3A_302 : vector<16xi32> to vector<16xf32>
      %swap3A_304 = arith.constant 128 : index
      %swap3A_305 = tpu.vector_load %arg9[%swap3A_304] {strides = array<i32>} : memref<512xf32, #tpu.memory_space<vmem>>, vector<16xf32>,
      tpu.vector_store %arg9[%swap3A_304], %convert_element_type3A_303 {strides = array<i32>} : memref<512xf32, #tpu.memory_space<vmem>>, vector<16xf32>,
      %get3A_306 = arith.constant 144 : index
      %get3A_307 = tpu.vector_load %arg5[%get3A_306] {strides = array<i32>} : memref<512xi32, #tpu.memory_space<vmem>>, vector<16xi32>,
      %gather3A_308 = tpu.vector_load_idx %arg7[%get3A_307] : memref<320xi32, #tpu.memory_space<vmem>>[vector<16xi32>], vector<16xi32>,
      %get3A_309 = arith.constant 144 : index
      %get3A_310 = tpu.vector_load %arg6[%get3A_309] {strides = array<i32>} : memref<512xi32, #tpu.memory_space<vmem>>, vector<16xi32>,
      %gather3A_311 = tpu.vector_load_idx %arg8[%get3A_310] : memref<320xi32, #tpu.memory_space<vmem>>[vector<16xi32>], vector<16xi32>,
      %add3A_312 = arith.addi %gather3A_308, %gather3A_311 : vector<16xi32>
      %convert_element_type3A_313 = arith.sitofp %add3A_312 : vector<16xi32> to vector<16xf32>
      %swap3A_314 = arith.constant 144 : index
      %swap3A_315 = tpu.vector_load %arg9[%swap3A_314] {strides = array<i32>} : memref<512xf32, #tpu.memory_space<vmem>>, vector<16xf32>,
      tpu.vector_store %arg9[%swap3A_314], %convert_element_type3A_313 {strides = array<i32>} : memref<512xf32, #tpu.memory_space<vmem>>, vector<16xf32>,
      %get3A_316 = arith.constant 160 : index
      %get3A_317 = tpu.vector_load %arg5[%get3A_316] {strides = array<i32>} : memref<512xi32, #tpu.memory_space<vmem>>, vector<16xi32>,
      %gather3A_318 = tpu.vector_load_idx %arg7[%get3A_317] : memref<320xi32, #tpu.memory_space<vmem>>[vector<16xi32>], vector<16xi32>,
      %get3A_319 = arith.constant 160 : index
      %get3A_320 = tpu.vector_load %arg6[%get3A_319] {strides = array<i32>} : memref<512xi32, #tpu.memory_space<vmem>>, vector<16xi32>,
      %gather3A_321 = tpu.vector_load_idx %arg8[%get3A_320] : memref<320xi32, #tpu.memory_space<vmem>>[vector<16xi32>], vector<16xi32>,
      %add3A_322 = arith.addi %gather3A_318, %gather3A_321 : vector<16xi32>
      %convert_element_type3A_323 = arith.sitofp %add3A_322 : vector<16xi32> to vector<16xf32>
      %swap3A_324 = arith.constant 160 : index
      %swap3A_325 = tpu.vector_load %arg9[%swap3A_324] {strides = array<i32>} : memref<512xf32, #tpu.memory_space<vmem>>, vector<16xf32>,
      tpu.vector_store %arg9[%swap3A_324], %convert_element_type3A_323 {strides = array<i32>} : memref<512xf32, #tpu.memory_space<vmem>>, vector<16xf32>,
      %get3A_326 = arith.constant 176 : index
      %get3A_327 = tpu.vector_load %arg5[%get3A_326] {strides = array<i32>} : memref<512xi32, #tpu.memory_space<vmem>>, vector<16xi32>,
      %gather3A_328 = tpu.vector_load_idx %arg7[%get3A_327] : memref<320xi32, #tpu.memory_space<vmem>>[vector<16xi32>], vector<16xi32>,
      %get3A_329 = arith.constant 176 : index
      %get3A_330 = tpu.vector_load %arg6[%get3A_329] {strides = array<i32>} : memref<512xi32, #tpu.memory_space<vmem>>, vector<16xi32>,
      %gather3A_331 = tpu.vector_load_idx %arg8[%get3A_330] : memref<320xi32, #tpu.memory_space<vmem>>[vector<16xi32>], vector<16xi32>,
      %add3A_332 = arith.addi %gather3A_328, %gather3A_331 : vector<16xi32>
      %convert_element_type3A_333 = arith.sitofp %add3A_332 : vector<16xi32> to vector<16xf32>
      %swap3A_334 = arith.constant 176 : index
      %swap3A_335 = tpu.vector_load %arg9[%swap3A_334] {strides = array<i32>} : memref<512xf32, #tpu.memory_space<vmem>>, vector<16xf32>,
      tpu.vector_store %arg9[%swap3A_334], %convert_element_type3A_333 {strides = array<i32>} : memref<512xf32, #tpu.memory_space<vmem>>, vector<16xf32>,
      %get3A_336 = arith.constant 192 : index
      %get3A_337 = tpu.vector_load %arg5[%get3A_336] {strides = array<i32>} : memref<512xi32, #tpu.memory_space<vmem>>, vector<16xi32>,
      %gather3A_338 = tpu.vector_load_idx %arg7[%get3A_337] : memref<320xi32, #tpu.memory_space<vmem>>[vector<16xi32>], vector<16xi32>,
      %get3A_339 = arith.constant 192 : index
      %get3A_340 = tpu.vector_load %arg6[%get3A_339] {strides = array<i32>} : memref<512xi32, #tpu.memory_space<vmem>>, vector<16xi32>,
      %gather3A_341 = tpu.vector_load_idx %arg8[%get3A_340] : memref<320xi32, #tpu.memory_space<vmem>>[vector<16xi32>], vector<16xi32>,
      %add3A_342 = arith.addi %gather3A_338, %gather3A_341 : vector<16xi32>
      %convert_element_type3A_343 = arith.sitofp %add3A_342 : vector<16xi32> to vector<16xf32>
      %swap3A_344 = arith.constant 192 : index
      %swap3A_345 = tpu.vector_load %arg9[%swap3A_344] {strides = array<i32>} : memref<512xf32, #tpu.memory_space<vmem>>, vector<16xf32>,
      tpu.vector_store %arg9[%swap3A_344], %convert_element_type3A_343 {strides = array<i32>} : memref<512xf32, #tpu.memory_space<vmem>>, vector<16xf32>,
      %get3A_346 = arith.constant 208 : index
      %get3A_347 = tpu.vector_load %arg5[%get3A_346] {strides = array<i32>} : memref<512xi32, #tpu.memory_space<vmem>>, vector<16xi32>,
      %gather3A_348 = tpu.vector_load_idx %arg7[%get3A_347] : memref<320xi32, #tpu.memory_space<vmem>>[vector<16xi32>], vector<16xi32>,
      %get3A_349 = arith.constant 208 : index
      %get3A_350 = tpu.vector_load %arg6[%get3A_349] {strides = array<i32>} : memref<512xi32, #tpu.memory_space<vmem>>, vector<16xi32>,
      %gather3A_351 = tpu.vector_load_idx %arg8[%get3A_350] : memref<320xi32, #tpu.memory_space<vmem>>[vector<16xi32>], vector<16xi32>,
      %add3A_352 = arith.addi %gather3A_348, %gather3A_351 : vector<16xi32>
      %convert_element_type3A_353 = arith.sitofp %add3A_352 : vector<16xi32> to vector<16xf32>
      %swap3A_354 = arith.constant 208 : index
      %swap3A_355 = tpu.vector_load %arg9[%swap3A_354] {strides = array<i32>} : memref<512xf32, #tpu.memory_space<vmem>>, vector<16xf32>,
      tpu.vector_store %arg9[%swap3A_354], %convert_element_type3A_353 {strides = array<i32>} : memref<512xf32, #tpu.memory_space<vmem>>, vector<16xf32>,
      %get3A_356 = arith.constant 224 : index
      %get3A_357 = tpu.vector_load %arg5[%get3A_356] {strides = array<i32>} : memref<512xi32, #tpu.memory_space<vmem>>, vector<16xi32>,
      %gather3A_358 = tpu.vector_load_idx %arg7[%get3A_357] : memref<320xi32, #tpu.memory_space<vmem>>[vector<16xi32>], vector<16xi32>,
      %get3A_359 = arith.constant 224 : index
      %get3A_360 = tpu.vector_load %arg6[%get3A_359] {strides = array<i32>} : memref<512xi32, #tpu.memory_space<vmem>>, vector<16xi32>,
      %gather3A_361 = tpu.vector_load_idx %arg8[%get3A_360] : memref<320xi32, #tpu.memory_space<vmem>>[vector<16xi32>], vector<16xi32>,
      %add3A_362 = arith.addi %gather3A_358, %gather3A_361 : vector<16xi32>
      %convert_element_type3A_363 = arith.sitofp %add3A_362 : vector<16xi32> to vector<16xf32>
      %swap3A_364 = arith.constant 224 : index
      %swap3A_365 = tpu.vector_load %arg9[%swap3A_364] {strides = array<i32>} : memref<512xf32, #tpu.memory_space<vmem>>, vector<16xf32>,
      tpu.vector_store %arg9[%swap3A_364], %convert_element_type3A_363 {strides = array<i32>} : memref<512xf32, #tpu.memory_space<vmem>>, vector<16xf32>,
      %get3A_366 = arith.constant 240 : index
      %get3A_367 = tpu.vector_load %arg5[%get3A_366] {strides = array<i32>} : memref<512xi32, #tpu.memory_space<vmem>>, vector<16xi32>,
      %gather3A_368 = tpu.vector_load_idx %arg7[%get3A_367] : memref<320xi32, #tpu.memory_space<vmem>>[vector<16xi32>], vector<16xi32>,
      %get3A_369 = arith.constant 240 : index
      %get3A_370 = tpu.vector_load %arg6[%get3A_369] {strides = array<i32>} : memref<512xi32, #tpu.memory_space<vmem>>, vector<16xi32>,
      %gather3A_371 = tpu.vector_load_idx %arg8[%get3A_370] : memref<320xi32, #tpu.memory_space<vmem>>[vector<16xi32>], vector<16xi32>,
      %add3A_372 = arith.addi %gather3A_368, %gather3A_371 : vector<16xi32>
      %convert_element_type3A_373 = arith.sitofp %add3A_372 : vector<16xi32> to vector<16xf32>
      %swap3A_374 = arith.constant 240 : index
      %swap3A_375 = tpu.vector_load %arg9[%swap3A_374] {strides = array<i32>} : memref<512xf32, #tpu.memory_space<vmem>>, vector<16xf32>,
      tpu.vector_store %arg9[%swap3A_374], %convert_element_type3A_373 {strides = array<i32>} : memref<512xf32, #tpu.memory_space<vmem>>, vector<16xf32>,
      %get3A_376 = arith.constant 256 : index
      %get3A_377 = tpu.vector_load %arg5[%get3A_376] {strides = array<i32>} : memref<512xi32, #tpu.memory_space<vmem>>, vector<16xi32>,
      %gather3A_378 = tpu.vector_load_idx %arg7[%get3A_377] : memref<320xi32, #tpu.memory_space<vmem>>[vector<16xi32>], vector<16xi32>,
      %get3A_379 = arith.constant 256 : index
      %get3A_380 = tpu.vector_load %arg6[%get3A_379] {strides = array<i32>} : memref<512xi32, #tpu.memory_space<vmem>>, vector<16xi32>,
      %gather3A_381 = tpu.vector_load_idx %arg8[%get3A_380] : memref<320xi32, #tpu.memory_space<vmem>>[vector<16xi32>], vector<16xi32>,
      %add3A_382 = arith.addi %gather3A_378, %gather3A_381 : vector<16xi32>
      %convert_element_type3A_383 = arith.sitofp %add3A_382 : vector<16xi32> to vector<16xf32>
      %swap3A_384 = arith.constant 256 : index
      %swap3A_385 = tpu.vector_load %arg9[%swap3A_384] {strides = array<i32>} : memref<512xf32, #tpu.memory_space<vmem>>, vector<16xf32>,
      tpu.vector_store %arg9[%swap3A_384], %convert_element_type3A_383 {strides = array<i32>} : memref<512xf32, #tpu.memory_space<vmem>>, vector<16xf32>,
      %get3A_386 = arith.constant 272 : index
      %get3A_387 = tpu.vector_load %arg5[%get3A_386] {strides = array<i32>} : memref<512xi32, #tpu.memory_space<vmem>>, vector<16xi32>,
      %gather3A_388 = tpu.vector_load_idx %arg7[%get3A_387] : memref<320xi32, #tpu.memory_space<vmem>>[vector<16xi32>], vector<16xi32>,
      %get3A_389 = arith.constant 272 : index
      %get3A_390 = tpu.vector_load %arg6[%get3A_389] {strides = array<i32>} : memref<512xi32, #tpu.memory_space<vmem>>, vector<16xi32>,
      %gather3A_391 = tpu.vector_load_idx %arg8[%get3A_390] : memref<320xi32, #tpu.memory_space<vmem>>[vector<16xi32>], vector<16xi32>,
      %add3A_392 = arith.addi %gather3A_388, %gather3A_391 : vector<16xi32>
      %convert_element_type3A_393 = arith.sitofp %add3A_392 : vector<16xi32> to vector<16xf32>
      %swap3A_394 = arith.constant 272 : index
      %swap3A_395 = tpu.vector_load %arg9[%swap3A_394] {strides = array<i32>} : memref<512xf32, #tpu.memory_space<vmem>>, vector<16xf32>,
      tpu.vector_store %arg9[%swap3A_394], %convert_element_type3A_393 {strides = array<i32>} : memref<512xf32, #tpu.memory_space<vmem>>, vector<16xf32>,
      %get3A_396 = arith.constant 288 : index
      %get3A_397 = tpu.vector_load %arg5[%get3A_396] {strides = array<i32>} : memref<512xi32, #tpu.memory_space<vmem>>, vector<16xi32>,
      %gather3A_398 = tpu.vector_load_idx %arg7[%get3A_397] : memref<320xi32, #tpu.memory_space<vmem>>[vector<16xi32>], vector<16xi32>,
      %get3A_399 = arith.constant 288 : index
      %get3A_400 = tpu.vector_load %arg6[%get3A_399] {strides = array<i32>} : memref<512xi32, #tpu.memory_space<vmem>>, vector<16xi32>,
      %gather3A_401 = tpu.vector_load_idx %arg8[%get3A_400] : memref<320xi32, #tpu.memory_space<vmem>>[vector<16xi32>], vector<16xi32>,
      %add3A_402 = arith.addi %gather3A_398, %gather3A_401 : vector<16xi32>
      %convert_element_type3A_403 = arith.sitofp %add3A_402 : vector<16xi32> to vector<16xf32>
      %swap3A_404 = arith.constant 288 : index
      %swap3A_405 = tpu.vector_load %arg9[%swap3A_404] {strides = array<i32>} : memref<512xf32, #tpu.memory_space<vmem>>, vector<16xf32>,
      tpu.vector_store %arg9[%swap3A_404], %convert_element_type3A_403 {strides = array<i32>} : memref<512xf32, #tpu.memory_space<vmem>>, vector<16xf32>,
      %get3A_406 = arith.constant 304 : index
      %get3A_407 = tpu.vector_load %arg5[%get3A_406] {strides = array<i32>} : memref<512xi32, #tpu.memory_space<vmem>>, vector<16xi32>,
      %gather3A_408 = tpu.vector_load_idx %arg7[%get3A_407] : memref<320xi32, #tpu.memory_space<vmem>>[vector<16xi32>], vector<16xi32>,
      %get3A_409 = arith.constant 304 : index
      %get3A_410 = tpu.vector_load %arg6[%get3A_409] {strides = array<i32>} : memref<512xi32, #tpu.memory_space<vmem>>, vector<16xi32>,
      %gather3A_411 = tpu.vector_load_idx %arg8[%get3A_410] : memref<320xi32, #tpu.memory_space<vmem>>[vector<16xi32>], vector<16xi32>,
      %add3A_412 = arith.addi %gather3A_408, %gather3A_411 : vector<16xi32>
      %convert_element_type3A_413 = arith.sitofp %add3A_412 : vector<16xi32> to vector<16xf32>
      %swap3A_414 = arith.constant 304 : index
      %swap3A_415 = tpu.vector_load %arg9[%swap3A_414] {strides = array<i32>} : memref<512xf32, #tpu.memory_space<vmem>>, vector<16xf32>,
      tpu.vector_store %arg9[%swap3A_414], %convert_element_type3A_413 {strides = array<i32>} : memref<512xf32, #tpu.memory_space<vmem>>, vector<16xf32>,
      %get3A_416 = arith.constant 320 : index
      %get3A_417 = tpu.vector_load %arg5[%get3A_416] {strides = array<i32>} : memref<512xi32, #tpu.memory_space<vmem>>, vector<16xi32>,
      %gather3A_418 = tpu.vector_load_idx %arg7[%get3A_417] : memref<320xi32, #tpu.memory_space<vmem>>[vector<16xi32>], vector<16xi32>,
      %get3A_419 = arith.constant 320 : index
      %get3A_420 = tpu.vector_load %arg6[%get3A_419] {strides = array<i32>} : memref<512xi32, #tpu.memory_space<vmem>>, vector<16xi32>,
      %gather3A_421 = tpu.vector_load_idx %arg8[%get3A_420] : memref<320xi32, #tpu.memory_space<vmem>>[vector<16xi32>], vector<16xi32>,
      %add3A_422 = arith.addi %gather3A_418, %gather3A_421 : vector<16xi32>
      %convert_element_type3A_423 = arith.sitofp %add3A_422 : vector<16xi32> to vector<16xf32>
      %swap3A_424 = arith.constant 320 : index
      %swap3A_425 = tpu.vector_load %arg9[%swap3A_424] {strides = array<i32>} : memref<512xf32, #tpu.memory_space<vmem>>, vector<16xf32>,
      tpu.vector_store %arg9[%swap3A_424], %convert_element_type3A_423 {strides = array<i32>} : memref<512xf32, #tpu.memory_space<vmem>>, vector<16xf32>,
      %get3A_426 = arith.constant 336 : index
      %get3A_427 = tpu.vector_load %arg5[%get3A_426] {strides = array<i32>} : memref<512xi32, #tpu.memory_space<vmem>>, vector<16xi32>,
      %gather3A_428 = tpu.vector_load_idx %arg7[%get3A_427] : memref<320xi32, #tpu.memory_space<vmem>>[vector<16xi32>], vector<16xi32>,
      %get3A_429 = arith.constant 336 : index
      %get3A_430 = tpu.vector_load %arg6[%get3A_429] {strides = array<i32>} : memref<512xi32, #tpu.memory_space<vmem>>, vector<16xi32>,
      %gather3A_431 = tpu.vector_load_idx %arg8[%get3A_430] : memref<320xi32, #tpu.memory_space<vmem>>[vector<16xi32>], vector<16xi32>,
      %add3A_432 = arith.addi %gather3A_428, %gather3A_431 : vector<16xi32>
      %convert_element_type3A_433 = arith.sitofp %add3A_432 : vector<16xi32> to vector<16xf32>
      %swap3A_434 = arith.constant 336 : index
      %swap3A_435 = tpu.vector_load %arg9[%swap3A_434] {strides = array<i32>} : memref<512xf32, #tpu.memory_space<vmem>>, vector<16xf32>,
      tpu.vector_store %arg9[%swap3A_434], %convert_element_type3A_433 {strides = array<i32>} : memref<512xf32, #tpu.memory_space<vmem>>, vector<16xf32>,
      %get3A_436 = arith.constant 352 : index
      %get3A_437 = tpu.vector_load %arg5[%get3A_436] {strides = array<i32>} : memref<512xi32, #tpu.memory_space<vmem>>, vector<16xi32>,
      %gather3A_438 = tpu.vector_load_idx %arg7[%get3A_437] : memref<320xi32, #tpu.memory_space<vmem>>[vector<16xi32>], vector<16xi32>,
      %get3A_439 = arith.constant 352 : index
      %get3A_440 = tpu.vector_load %arg6[%get3A_439] {strides = array<i32>} : memref<512xi32, #tpu.memory_space<vmem>>, vector<16xi32>,
      %gather3A_441 = tpu.vector_load_idx %arg8[%get3A_440] : memref<320xi32, #tpu.memory_space<vmem>>[vector<16xi32>], vector<16xi32>,
      %add3A_442 = arith.addi %gather3A_438, %gather3A_441 : vector<16xi32>
      %convert_element_type3A_443 = arith.sitofp %add3A_442 : vector<16xi32> to vector<16xf32>
      %swap3A_444 = arith.constant 352 : index
      %swap3A_445 = tpu.vector_load %arg9[%swap3A_444] {strides = array<i32>} : memref<512xf32, #tpu.memory_space<vmem>>, vector<16xf32>,
      tpu.vector_store %arg9[%swap3A_444], %convert_element_type3A_443 {strides = array<i32>} : memref<512xf32, #tpu.memory_space<vmem>>, vector<16xf32>,
      %get3A_446 = arith.constant 368 : index
      %get3A_447 = tpu.vector_load %arg5[%get3A_446] {strides = array<i32>} : memref<512xi32, #tpu.memory_space<vmem>>, vector<16xi32>,
      %gather3A_448 = tpu.vector_load_idx %arg7[%get3A_447] : memref<320xi32, #tpu.memory_space<vmem>>[vector<16xi32>], vector<16xi32>,
      %get3A_449 = arith.constant 368 : index
      %get3A_450 = tpu.vector_load %arg6[%get3A_449] {strides = array<i32>} : memref<512xi32, #tpu.memory_space<vmem>>, vector<16xi32>,
      %gather3A_451 = tpu.vector_load_idx %arg8[%get3A_450] : memref<320xi32, #tpu.memory_space<vmem>>[vector<16xi32>], vector<16xi32>,
      %add3A_452 = arith.addi %gather3A_448, %gather3A_451 : vector<16xi32>
      %convert_element_type3A_453 = arith.sitofp %add3A_452 : vector<16xi32> to vector<16xf32>
      %swap3A_454 = arith.constant 368 : index
      %swap3A_455 = tpu.vector_load %arg9[%swap3A_454] {strides = array<i32>} : memref<512xf32, #tpu.memory_space<vmem>>, vector<16xf32>,
      tpu.vector_store %arg9[%swap3A_454], %convert_element_type3A_453 {strides = array<i32>} : memref<512xf32, #tpu.memory_space<vmem>>, vector<16xf32>,
      %get3A_456 = arith.constant 384 : index
      %get3A_457 = tpu.vector_load %arg5[%get3A_456] {strides = array<i32>} : memref<512xi32, #tpu.memory_space<vmem>>, vector<16xi32>,
      %gather3A_458 = tpu.vector_load_idx %arg7[%get3A_457] : memref<320xi32, #tpu.memory_space<vmem>>[vector<16xi32>], vector<16xi32>,
      %get3A_459 = arith.constant 384 : index
      %get3A_460 = tpu.vector_load %arg6[%get3A_459] {strides = array<i32>} : memref<512xi32, #tpu.memory_space<vmem>>, vector<16xi32>,
      %gather3A_461 = tpu.vector_load_idx %arg8[%get3A_460] : memref<320xi32, #tpu.memory_space<vmem>>[vector<16xi32>], vector<16xi32>,
      %add3A_462 = arith.addi %gather3A_458, %gather3A_461 : vector<16xi32>
      %convert_element_type3A_463 = arith.sitofp %add3A_462 : vector<16xi32> to vector<16xf32>
      %swap3A_464 = arith.constant 384 : index
      %swap3A_465 = tpu.vector_load %arg9[%swap3A_464] {strides = array<i32>} : memref<512xf32, #tpu.memory_space<vmem>>, vector<16xf32>,
      tpu.vector_store %arg9[%swap3A_464], %convert_element_type3A_463 {strides = array<i32>} : memref<512xf32, #tpu.memory_space<vmem>>, vector<16xf32>,
      %get3A_466 = arith.constant 400 : index
      %get3A_467 = tpu.vector_load %arg5[%get3A_466] {strides = array<i32>} : memref<512xi32, #tpu.memory_space<vmem>>, vector<16xi32>,
      %gather3A_468 = tpu.vector_load_idx %arg7[%get3A_467] : memref<320xi32, #tpu.memory_space<vmem>>[vector<16xi32>], vector<16xi32>,
      %get3A_469 = arith.constant 400 : index
      %get3A_470 = tpu.vector_load %arg6[%get3A_469] {strides = array<i32>} : memref<512xi32, #tpu.memory_space<vmem>>, vector<16xi32>,
      %gather3A_471 = tpu.vector_load_idx %arg8[%get3A_470] : memref<320xi32, #tpu.memory_space<vmem>>[vector<16xi32>], vector<16xi32>,
      %add3A_472 = arith.addi %gather3A_468, %gather3A_471 : vector<16xi32>
      %convert_element_type3A_473 = arith.sitofp %add3A_472 : vector<16xi32> to vector<16xf32>
      %swap3A_474 = arith.constant 400 : index
      %swap3A_475 = tpu.vector_load %arg9[%swap3A_474] {strides = array<i32>} : memref<512xf32, #tpu.memory_space<vmem>>, vector<16xf32>,
      tpu.vector_store %arg9[%swap3A_474], %convert_element_type3A_473 {strides = array<i32>} : memref<512xf32, #tpu.memory_space<vmem>>, vector<16xf32>,
      %get3A_476 = arith.constant 416 : index
      %get3A_477 = tpu.vector_load %arg5[%get3A_476] {strides = array<i32>} : memref<512xi32, #tpu.memory_space<vmem>>, vector<16xi32>,
      %gather3A_478 = tpu.vector_load_idx %arg7[%get3A_477] : memref<320xi32, #tpu.memory_space<vmem>>[vector<16xi32>], vector<16xi32>,
      %get3A_479 = arith.constant 416 : index
      %get3A_480 = tpu.vector_load %arg6[%get3A_479] {strides = array<i32>} : memref<512xi32, #tpu.memory_space<vmem>>, vector<16xi32>,
      %gather3A_481 = tpu.vector_load_idx %arg8[%get3A_480] : memref<320xi32, #tpu.memory_space<vmem>>[vector<16xi32>], vector<16xi32>,
      %add3A_482 = arith.addi %gather3A_478, %gather3A_481 : vector<16xi32>
      %convert_element_type3A_483 = arith.sitofp %add3A_482 : vector<16xi32> to vector<16xf32>
      %swap3A_484 = arith.constant 416 : index
      %swap3A_485 = tpu.vector_load %arg9[%swap3A_484] {strides = array<i32>} : memref<512xf32, #tpu.memory_space<vmem>>, vector<16xf32>,
      tpu.vector_store %arg9[%swap3A_484], %convert_element_type3A_483 {strides = array<i32>} : memref<512xf32, #tpu.memory_space<vmem>>, vector<16xf32>,
      %get3A_486 = arith.constant 432 : index
      %get3A_487 = tpu.vector_load %arg5[%get3A_486] {strides = array<i32>} : memref<512xi32, #tpu.memory_space<vmem>>, vector<16xi32>,
      %gather3A_488 = tpu.vector_load_idx %arg7[%get3A_487] : memref<320xi32, #tpu.memory_space<vmem>>[vector<16xi32>], vector<16xi32>,
      %get3A_489 = arith.constant 432 : index
      %get3A_490 = tpu.vector_load %arg6[%get3A_489] {strides = array<i32>} : memref<512xi32, #tpu.memory_space<vmem>>, vector<16xi32>,
      %gather3A_491 = tpu.vector_load_idx %arg8[%get3A_490] : memref<320xi32, #tpu.memory_space<vmem>>[vector<16xi32>], vector<16xi32>,
      %add3A_492 = arith.addi %gather3A_488, %gather3A_491 : vector<16xi32>
      %convert_element_type3A_493 = arith.sitofp %add3A_492 : vector<16xi32> to vector<16xf32>
      %swap3A_494 = arith.constant 432 : index
      %swap3A_495 = tpu.vector_load %arg9[%swap3A_494] {strides = array<i32>} : memref<512xf32, #tpu.memory_space<vmem>>, vector<16xf32>,
      tpu.vector_store %arg9[%swap3A_494], %convert_element_type3A_493 {strides = array<i32>} : memref<512xf32, #tpu.memory_space<vmem>>, vector<16xf32>,
      %get3A_496 = arith.constant 448 : index
      %get3A_497 = tpu.vector_load %arg5[%get3A_496] {strides = array<i32>} : memref<512xi32, #tpu.memory_space<vmem>>, vector<16xi32>,
      %gather3A_498 = tpu.vector_load_idx %arg7[%get3A_497] : memref<320xi32, #tpu.memory_space<vmem>>[vector<16xi32>], vector<16xi32>,
      %get3A_499 = arith.constant 448 : index
      %get3A_500 = tpu.vector_load %arg6[%get3A_499] {strides = array<i32>} : memref<512xi32, #tpu.memory_space<vmem>>, vector<16xi32>,
      %gather3A_501 = tpu.vector_load_idx %arg8[%get3A_500] : memref<320xi32, #tpu.memory_space<vmem>>[vector<16xi32>], vector<16xi32>,
      %add3A_502 = arith.addi %gather3A_498, %gather3A_501 : vector<16xi32>
      %convert_element_type3A_503 = arith.sitofp %add3A_502 : vector<16xi32> to vector<16xf32>
      %swap3A_504 = arith.constant 448 : index
      %swap3A_505 = tpu.vector_load %arg9[%swap3A_504] {strides = array<i32>} : memref<512xf32, #tpu.memory_space<vmem>>, vector<16xf32>,
      tpu.vector_store %arg9[%swap3A_504], %convert_element_type3A_503 {strides = array<i32>} : memref<512xf32, #tpu.memory_space<vmem>>, vector<16xf32>,
      %get3A_506 = arith.constant 464 : index
      %get3A_507 = tpu.vector_load %arg5[%get3A_506] {strides = array<i32>} : memref<512xi32, #tpu.memory_space<vmem>>, vector<16xi32>,
      %gather3A_508 = tpu.vector_load_idx %arg7[%get3A_507] : memref<320xi32, #tpu.memory_space<vmem>>[vector<16xi32>], vector<16xi32>,
      %get3A_509 = arith.constant 464 : index
      %get3A_510 = tpu.vector_load %arg6[%get3A_509] {strides = array<i32>} : memref<512xi32, #tpu.memory_space<vmem>>, vector<16xi32>,
      %gather3A_511 = tpu.vector_load_idx %arg8[%get3A_510] : memref<320xi32, #tpu.memory_space<vmem>>[vector<16xi32>], vector<16xi32>,
      %add3A_512 = arith.addi %gather3A_508, %gather3A_511 : vector<16xi32>
      %convert_element_type3A_513 = arith.sitofp %add3A_512 : vector<16xi32> to vector<16xf32>
      %swap3A_514 = arith.constant 464 : index
      %swap3A_515 = tpu.vector_load %arg9[%swap3A_514] {strides = array<i32>} : memref<512xf32, #tpu.memory_space<vmem>>, vector<16xf32>,
      tpu.vector_store %arg9[%swap3A_514], %convert_element_type3A_513 {strides = array<i32>} : memref<512xf32, #tpu.memory_space<vmem>>, vector<16xf32>,
      %get3A_516 = arith.constant 480 : index
      %get3A_517 = tpu.vector_load %arg5[%get3A_516] {strides = array<i32>} : memref<512xi32, #tpu.memory_space<vmem>>, vector<16xi32>,
      %gather3A_518 = tpu.vector_load_idx %arg7[%get3A_517] : memref<320xi32, #tpu.memory_space<vmem>>[vector<16xi32>], vector<16xi32>,
      %get3A_519 = arith.constant 480 : index
      %get3A_520 = tpu.vector_load %arg6[%get3A_519] {strides = array<i32>} : memref<512xi32, #tpu.memory_space<vmem>>, vector<16xi32>,
      %gather3A_521 = tpu.vector_load_idx %arg8[%get3A_520] : memref<320xi32, #tpu.memory_space<vmem>>[vector<16xi32>], vector<16xi32>,
      %add3A_522 = arith.addi %gather3A_518, %gather3A_521 : vector<16xi32>
      %convert_element_type3A_523 = arith.sitofp %add3A_522 : vector<16xi32> to vector<16xf32>
      %swap3A_524 = arith.constant 480 : index
      %swap3A_525 = tpu.vector_load %arg9[%swap3A_524] {strides = array<i32>} : memref<512xf32, #tpu.memory_space<vmem>>, vector<16xf32>,
      tpu.vector_store %arg9[%swap3A_524], %convert_element_type3A_523 {strides = array<i32>} : memref<512xf32, #tpu.memory_space<vmem>>, vector<16xf32>,
      %get3A_526 = arith.constant 496 : index
      %get3A_527 = tpu.vector_load %arg5[%get3A_526] {strides = array<i32>} : memref<512xi32, #tpu.memory_space<vmem>>, vector<16xi32>,
      %gather3A_528 = tpu.vector_load_idx %arg7[%get3A_527] : memref<320xi32, #tpu.memory_space<vmem>>[vector<16xi32>], vector<16xi32>,
      %get3A_529 = arith.constant 496 : index
      %get3A_530 = tpu.vector_load %arg6[%get3A_529] {strides = array<i32>} : memref<512xi32, #tpu.memory_space<vmem>>, vector<16xi32>,
      %gather3A_531 = tpu.vector_load_idx %arg8[%get3A_530] : memref<320xi32, #tpu.memory_space<vmem>>[vector<16xi32>], vector<16xi32>,
      %add3A_532 = arith.addi %gather3A_528, %gather3A_531 : vector<16xi32>
      %convert_element_type3A_533 = arith.sitofp %add3A_532 : vector<16xi32> to vector<16xf32>
      %swap3A_534 = arith.constant 496 : index
      %swap3A_535 = tpu.vector_load %arg9[%swap3A_534] {strides = array<i32>} : memref<512xf32, #tpu.memory_space<vmem>>, vector<16xf32>,
      tpu.vector_store %arg9[%swap3A_534], %convert_element_type3A_533 {strides = array<i32>} : memref<512xf32, #tpu.memory_space<vmem>>, vector<16xf32>,
      "tpu.region"() ({
        %run_scoped3A = tpu.sem_alloc : memref<!tpu.dma_semaphore, #tpu.memory_space<semaphore_mem>>
        %dma_start3A = arith.constant 0 : i32
        %dma_start3A_536 = tpu.memref_slice %arg4[%add3A, %dma_start3A] : memref<8x512xf32, #tpu.memory_space<hbm>> -> memref<1x512xf32, #tpu.memory_space<hbm>>
        %dma_start3A_537 = tpu.memref_squeeze %dma_start3A_536 : memref<1x512xf32, #tpu.memory_space<hbm>> -> memref<512xf32, #tpu.memory_space<hbm>>
        %dma_start3A_538 = arith.constant 0 : i32
        %dma_start3A_539 = tpu.memref_slice %arg4[%add3A, %dma_start3A_538] : memref<8x512xf32, #tpu.memory_space<hbm>> -> memref<1x512xf32, #tpu.memory_space<hbm>>
        %dma_start3A_540 = tpu.memref_squeeze %dma_start3A_539 : memref<1x512xf32, #tpu.memory_space<hbm>> -> memref<512xf32, #tpu.memory_space<hbm>>
        tpu.enqueue_dma source(%arg9 : memref<512xf32, #tpu.memory_space<vmem>>) target(%dma_start3A_540 : memref<512xf32, #tpu.memory_space<hbm>>) target_semaphore(%run_scoped3A : memref<!tpu.dma_semaphore, #tpu.memory_space<semaphore_mem>>)
        %dma_wait3A = arith.constant 0 : i32
        %dma_wait3A_541 = tpu.memref_slice %arg4[%add3A, %dma_wait3A] : memref<8x512xf32, #tpu.memory_space<hbm>> -> memref<1x512xf32, #tpu.memory_space<hbm>>
        %dma_wait3A_542 = tpu.memref_squeeze %dma_wait3A_541 : memref<1x512xf32, #tpu.memory_space<hbm>> -> memref<512xf32, #tpu.memory_space<hbm>>
        %dma_wait3A_543 = arith.constant 0 : i32
        %dma_wait3A_544 = tpu.memref_slice %arg4[%add3A, %dma_wait3A_543] : memref<8x512xf32, #tpu.memory_space<hbm>> -> memref<1x512xf32, #tpu.memory_space<hbm>>
        %dma_wait3A_545 = tpu.memref_squeeze %dma_wait3A_544 : memref<1x512xf32, #tpu.memory_space<hbm>> -> memref<512xf32, #tpu.memory_space<hbm>>
        tpu.wait_dma2 semaphore(%run_scoped3A : memref<!tpu.dma_semaphore, #tpu.memory_space<semaphore_mem>>) src(%arg9 : memref<512xf32, #tpu.memory_space<vmem>>) dst(%dma_wait3A_545 : memref<512xf32, #tpu.memory_space<hbm>>)
        tpu.yield
      }) : () -> ()
    } else {
    }
    return
  }
}

</mosaic_0001>

<sc_bundles>
// kernel: kernel.3.cloned.1.call-start
scs
__scs_entry_jumppad:
0x0: {  	(pc) =	sbr.rel $0x88, $3  }
0x1: {  	(tag) =	ssettag $0x0;
	lr =	simm.s32 $0x1  }
0x2: {  	[smem:$0x3FA0] =	sst lr;
	_ =	strace $0xD0000000  }
0x3: {  	_ = 	snop  }
0x4: {  	_ = 	snop  }
0x5: {  	_ = 	snop  }
0x6: {  	_ = 	snop  }
0x7: {  	_ = 	snop  }
__scs_overlays_trampoline_lowered:
0x8: {  	[smem:$0x3FAF] =	sst s0  }
0x9: {  	[smem:$0x3FB0] =	sst s1  }
0xa: {  	[smem:$0x3FB1] =	sst s2  }
0xb: {  	[smem:$0x3FB2] =	sst s3  }
0xc: {  	[smem:$0x3FB3] =	sst s4  }
0xd: {  	[smem:$0x3FB4] =	sst s5  }
0xe: {  	[smem:$0x3FB5] =	sst s6  }
0xf: {  	[smem:$0x3FB6] =	sst s7  }
0x10: {  	[smem:$0x3FB7] =	sst s8  }
0x11: {  	[smem:$0x3FB8] =	sst s9;
	s0 =	simm.s32 @!p0 $0x0  }
0x12: {  	s1 =	sld [smem:$0x3F9E];
	s0 =	simm.s32 @p0 $0x1  }
0x13: {  	[smem:$0x3FB9] =	sst s0;
	s0 =	simm.s32 @!p1 $0x0  }
0x14: {  	s2 =	sld [smem:$0x3F9D];
	s0 =	simm.s32 @p1 $0x1  }
0x15: {  	[smem:$0x3FBA] =	sst s0;
	s0 =	simm.s32 @!p2 $0x0  }
0x16: {  	s3 =	sld [smem:$0x3FDB];
	s0 =	simm.s32 @p2 $0x1  }
0x17: {  	s4 =	simm.s32 $0x1BF5;
	[smem:$0x3FBC] =	sst s0  }
0x18: {  	s0 =	sld [smem:$0x3F9F];
	_ =	swait.ge [sflag:s4], $0x0  }
0x19: {  	s7 =	sld [smem:$0x3FA0]  }
0x1a: {  	s8 =	sadd.s32 $0xFFFFE003, lr  }
0x1b: {  	s9 =	sadd.s32 $0xFFFFFEF7, lr;
	s5 =	simm.s32 $0xFFFFFFFF;
	p2 =	slt.u32 s8, $0xFFFFF086  }
0x1c: {  	p1 =	slt.u32 s9, $0xF7A;
	s5 =	simm.s32 @!p2 $0x0  }
0x1d: {  	s5 =	simm.s32 @p1 $0x1;
	p0 =	seq.s32 s7, s2  }
0x1e: {  	s7 =	smul.u32 @!p0 $0xF7A, s2;
	p2 =	seq.s32 @!p0 s5, $0x0  }
0x1f: {  	s9 =	smul.u32 $0xF7A, s1;
	s8 =	simm.s32 @!p0 $0x1BF5;
	p2 =	por !p2, p0  }
0x20: {  	[sflag:s8] =	ssyncset.s32 @!p0 $0xFFFFF086;
	s6 =	sadd.s32 @!p0 s3, s7;
	s7 =	simm.s32 @!p0 $0x108  }
0x21: {  	s3 =	sadd.s32 s3, s9;
	s6 =	sadd.s32 @!p0 $0x88, s6;
	s7 =	simm.s32 @p2 $0x1082  }
0x22: {  	[simem:s7], [sflag:s8] =	dma.local @!p0 [hbm:s6], $0xF7A  }
0x23: {  	s9 =	sor.u32 $0xD0000000, s2;
	s6 =	simm.s32 $0x108;
	_ =	swait.ge @!p0 [sflag:s8], $0x0  }
0x24: {  	s3 =	sadd.s32 $0x88, s3;
	s6 =	simm.s32 @!p1 $0x1082;
	[sflag:s4] =	ssyncset.s32 $0xFFFFF086  }
0x25: {  	[simem:s6], [sflag:s4] =	dma.local [hbm:s3], $0xF7A  }
0x26: {  	[smem:$0x3FA0] =	sst s1;
	(tag) =	ssettag s2;
	_ =	strace s9  }
0x27: {  	s1 =	sld [smem:$0x3FB0]  }
0x28: {  	s2 =	sld [smem:$0x3FB1]  }
0x29: {  	s4 =	sld [smem:$0x3FB3]  }
0x2a: {  	p0 =	seq.s32 s5, $0x0;
	s5 =	sld [smem:$0x3FB4]  }
0x2b: {  	s6 =	sld [smem:$0x3FB5]  }
0x2c: {  	s7 =	sld [smem:$0x3FB6]  }
0x2d: {  	s3 =	simm.s32 $0x108;
	s8 =	sld [smem:$0x3FB7]  }
0x2e: {  	s3 =	simm.s32 @!p0 $0x1082;
	s9 =	sld [smem:$0x3FB8]  }
0x2f: {  	lr =	sadd.s32 s0, s3;
	s0 =	sld [smem:$0x3FAF]  }
0x30: {  	s3 =	sld [smem:$0x3FB2]  }
0x31: {  	[smem:$0x3FBB] =	sst s10  }
0x32: {  	s10 =	sld [smem:$0x3FB9];
	_ =	sdelay $0x3  }
0x33: {  	p0 =	seq.s32 s10, $0x1;
	s10 =	sld [smem:$0x3FBB];
	_ =	sdelay $0x3  }
0x34: {  	[smem:$0x3FBB] =	sst s10  }
0x35: {  	s10 =	sld [smem:$0x3FBA];
	_ =	sdelay $0x3  }
0x36: {  	p1 =	seq.s32 s10, $0x1;
	s10 =	sld [smem:$0x3FBB];
	_ =	sdelay $0x3  }
0x37: {  	[smem:$0x3FBB] =	sst s10  }
0x38: {  	s10 =	sld [smem:$0x3FBC]  }
0x39: {  	_ = 	snop;
	(pc) =	sbr.ind lr, $3  }
0x3a: {  	_ = 	snop  }
0x3b: {  	_ = 	snop  }
0x3c: {  	p2 =	seq.s32 s10, $0x1;
	s10 =	sld [smem:$0x3FBB]  }
0x3d: {  	_ =	shalt  }
0x3e: {  	_ =	shalt  }
0x3f: {  	_ =	shalt  }
0x40: {  	_ =	shalt  }
0x41: {  	_ =	shalt  }
0x42: {  	_ =	shalt  }
0x43: {  	_ =	shalt  }
0x44: {  	_ =	shalt  }
0x45: {  	_ =	shalt  }
0x46: {  	_ =	shalt  }
0x47: {  	_ =	shalt  }
0x48: {  	_ =	shalt  }
0x49: {  	_ =	shalt  }
0x4a: {  	_ =	shalt  }
0x4b: {  	_ =	shalt  }
0x4c: {  	_ =	shalt  }
0x4d: {  	_ =	shalt  }
0x4e: {  	_ =	shalt  }
0x4f: {  	_ =	shalt  }
0x50: {  	_ =	shalt  }
0x51: {  	_ =	shalt  }
0x52: {  	_ =	shalt  }
0x53: {  	_ =	shalt  }
0x54: {  	_ =	shalt  }
0x55: {  	_ =	shalt  }
0x56: {  	_ =	shalt  }
0x57: {  	_ =	shalt  }
0x58: {  	_ =	shalt  }
0x59: {  	_ =	shalt  }
0x5a: {  	_ =	shalt  }
0x5b: {  	_ =	shalt  }
0x5c: {  	_ =	shalt  }
0x5d: {  	_ =	shalt  }
0x5e: {  	_ =	shalt  }
0x5f: {  	_ =	shalt  }
0x60: {  	_ =	shalt  }
0x61: {  	_ =	shalt  }
0x62: {  	_ =	shalt  }
0x63: {  	_ =	shalt  }
0x64: {  	_ =	shalt  }
0x65: {  	_ =	shalt  }
0x66: {  	_ =	shalt  }
0x67: {  	_ =	shalt  }
0x68: {  	_ =	shalt  }
0x69: {  	_ =	shalt  }
0x6a: {  	_ =	shalt  }
0x6b: {  	_ =	shalt  }
0x6c: {  	_ =	shalt  }
0x6d: {  	_ =	shalt  }
0x6e: {  	_ =	shalt  }
0x6f: {  	_ =	shalt  }
0x70: {  	_ =	shalt  }
0x71: {  	_ =	shalt  }
0x72: {  	_ =	shalt  }
0x73: {  	_ =	shalt  }
0x74: {  	_ =	shalt  }
0x75: {  	_ =	shalt  }
0x76: {  	_ =	shalt  }
0x77: {  	_ =	shalt  }
0x78: {  	_ =	shalt  }
0x79: {  	_ =	shalt  }
0x7a: {  	_ =	shalt  }
0x7b: {  	_ =	shalt  }
0x7c: {  	_ =	shalt  }
0x7d: {  	_ =	shalt  }
0x7e: {  	_ =	shalt  }
0x7f: {  	_ =	shalt  }
0x80: {  	_ =	shalt  }
0x81: {  	_ =	shalt  }
0x82: {  	_ =	shalt  }
0x83: {  	_ =	shalt  }
0x84: {  	_ =	shalt  }
0x85: {  	_ =	shalt  }
0x86: {  	_ =	shalt  }
0x87: {  	_ =	shalt  }
.Lfunc_end0:
.L_simem_size_0:
called_computation_lowered:
.L_overlay_start_0:
0x88: {  	s0 =	sld [smem:$0x3FD9]  }
0x89: {  	s1 =	sld [smem:$0x3FFE];
	_ =	sdelay $0x3  }
0x8a: {  	s0 =	sadd.s32 s1, s0  }
0x8b: {  	[smem:$0x3FC7] =	sst s0  }
0x8c: {  	_ = 	snop  }
0x8d: {  	s0 =	sld [smem:$0x3FD0];
	(tm) =	ssettm $0x1  }
0x8e: {  	s16 =	sld [smem:$0x3FFB];
	_ =	sdelay $0x3  }
0x8f: {  	_ =	strace s16  }
0x90: {  	s1 =	sld [smem:$0x3FFC];
	_ =	sdelay $0x3  }
0x91: {  	_ =	strace s1  }
0x92: {  	s1 =	sld [smem:$0x3FFD];
	_ =	sdelay $0x3  }
0x93: {  	_ =	strace s1  }
0x94: {  	_ =	strace $0x8FFFFFFF  }
0x95: {  	s17 =	sld [smem:$0x3FDB];
	_ =	sdelay $0x1  }
0x96: {  	s2 =	simm.s32 $_scs_section_size  }
0x97: {  	s3 =	simm.s32 $_size__tile_overlayer_lowered;
	s4 =	simm.s32 $_tile_overlayer_lowered  }
0x98: {  	s20 =	simm.s32 $0x1BFF;
	s19 =	sshll.u32 s4, $0x1;
	s1 =	sadd.s32 s2, s17  }
0x99: {  	s5 =	simm.s32 $0x0;
	s18 =	sshll.u32 s3, $0x1;
	s3 =	sadd.s32 s19, s1  }
0x9a: {  	[timem:s5], [sflag:s20] =	dma.local [hbm:s3], s18  }
0x9b: {  	_ =	swait.ge [sflag:s20], s18  }
0x9c: {  	s2 =	ssub.s32 $0x0, s18;
	[sflag:s20] =	ssyncset.done $0x0  }
0x9d: {  	[sflag:s20] =	ssyncadd.s32 s2;
	_ =	sdelay $0x1  }
0x9e: {  	s21 =	simm.s32 $0x1B8B  }
0x9f: {  	_ =	swait.ge [sflag:s21], $0x1  }
0xa0: {  	[sflag:s21] =	ssyncset.done $0x0  }
0xa1: {  	s23 =	simm.s32 $0x1B8E;
	s22 =	sld [smem:$0x3FFE];
	[sflag:s21] =	ssyncadd.s32 $0xFFFFFFFF  }
0xa2: {  	s24 =	simm.s32 $execute0_lowered;
	[smem:$0x3FD2] =	sst s23  }
0xa3: {  	s3 =	sshll.u32 s24, $0x1;
	_ =	strace $0x80000046;
	[dreg:$0x1] =	wrdreg $0xFFFFFFFF  }
0xa4: {  	s25 =	simm.s32 $_size_execute0_lowered;
	s1 =	sadd.s32 s1, s3;
	[dreg:$0x0] =	wrdreg $0x0  }
0xa5: {  	s3 =	sshll.u32 s25, $0x1;
	[dreg:$0x2] =	wrdreg s1  }
0xa6: {  	[dreg:$0x3] =	wrdreg s3  }
0xa7: {  	[dreg:$0x4] =	wrdreg $0xC0  }
0xa8: {  	_ =	task [dreg:s5], $0x5FFFF  }
0xa9: {  	[dreg:$0x1] =	wrdreg $0xFFFFFFFF  }
0xaa: {  	[dreg:$0x0] =	wrdreg $0x60  }
0xab: {  	[dreg:$0x2] =	wrdreg s22  }
0xac: {  	[dreg:$0x3] =	wrdreg s0  }
0xad: {  	[dreg:$0x4] =	wrdreg $0x9  }
0xae: {  	_ =	task.clear_ibuf [dreg:s5], $0x5FFFF;
	_ =	strace $0x90000046  }
0xaf: {  	s26 =	simm.s32 $0x9;
	_ =	strace $0x80000048  }
0xb0: {  	_ =	swait.ge [sflag:s26], $0x1  }
0xb1: {  	[sflag:s26] =	ssyncadd.s32 $0xFFFFFFFF  }
0xb2: {  	_ =	strace $0x90000048  }
0xb3: {  	_ =	sfence  }
0xb4: {  	s28 =	sld [smem:$0x0];
	_ =	sdelay $0x1  }
0xb5: {  	s29 =	srdreg.scid  }
0xb6: {  	s30 =	sshll.u32 s29, $0xD;
	s31 =	sshrl.u32 s29, $0x2  }
0xb7: {  	s2 =	sand.u32 $0x4000, s30;
	s1 =	sand.u32 $0x1, s29;
	s0 =	sadd.s32 s31, s28  }
0xb8: {  	s1 =	sor.u32 s2, s1;
	s0 =	sshll.u32 s0, $0x11  }
0xb9: {  	s0 =	sor.u32 s0, s1  }
0xba: {  	s0 =	sadd.s32 $0x8F2B, s0  }
0xbb: {  	[sflag:s0] =	ssyncadd.remote.s32 $0x1  }
0xbc: {  	_ =	sfence.sel $0xFFFF  }
0xbd: {  	[dreg:$0x0] =	wrdreg $0xFFFFFFFF;
	(pc) =	sbr.abs _section_cstart, $3  }
0xbe: {  	[dreg:$0x1] =	wrdreg $0xFFFFFFFF  }
0xbf: {  	_ =	task.clear_ibuf [dreg:s5], $0x2FFFF;
	_ =	strace $0x9FFFFFFF  }
0xc0: {  	(tm) =	ssettm $0x7FFFFFFF  }
0xc1: {  	_ =	shalt  }
tec
execute0_lowered:
.L_overlay_start_1:
0x0: {  	(tag) =	ssettag $0x1  }
0x1: {  	s0 =	rddreg [dreg:$0x0];
	s2 =	simm.s32 $0x0  }
0x2: {  	s31 =	stileid.u32;
	[smem:$0x7FF] =	sst s2  }
0x3: {  	s1 =	rddreg [dreg:$0x2];
	p0 =	sne.s32 s31, $0x0;
	_ =	strace $0x80000047  }
0x4: {  	_ =	sfence.sel @p0 $0x180000  }
0x5: {  	[bflag:$0x0] =	sbarrier.arrive @p0 $0xFFFF  }
0x6: {  	s2 =	sadd.s32 $0x400, s0;
	s3 =	simm.s32 @!p0 $0x80;
	_ =	strace @p0 $0x90000047  }
0x7: {  	s4 =	simm.s32 @!p0 $0x400;
	s5 =	simm.s32 @!p0 $0x0;
	[bflag:$0x2] =	sbarrier.arrive @p0 $0xFFFF  }
0x8: {  	[tilespmem:s5], [sflag:$0x1] =	stream.strided.gather @!p0 [hbm4b:s2+s3], $0x200, s4, s3, $0x38;
	[tilespmem:$0x900] =	vst v63  }
0x9: {  	s2 =	simm.s32 @!p0 $0x1  }
0xa: {  	_ =	swait.ge @!p0 [sflag:s2], $0x200  }
0xb: {  	[sflag:s2] =	ssyncset.done @!p0 $0x0  }
0xc: {  	[sflag:s2] =	ssyncadd.s32 @!p0 $0xFFFFFE00  }
0xd: {  	v0 =	vld @!p0 [tilespmem:$0x0];
	_ =	sdelay $0x4  }
0xe: {  	v0 =	vcvt.s32.f32 @!p0 v0;
	_ =	sdelay $0x1  }
0xf: {  	s0 =	sadd.s32 $0x600, s0;
	s5 =	simm.s32 @!p0 $0x700;
	[tilespmem:$0x700] =	vst @!p0 v0  }
0x10: {  	[hbm4b:s0+s3] =	stream.strided.scatter @!p0 [tilespmem:s5], [sflag:$0x1], $0x200, s4, s3, $0x38;
	[tilespmem:$0x900] =	vst v63  }
0x11: {  	_ =	swait.ge @!p0 [sflag:s2], $0x200  }
0x12: {  	[sflag:s2] =	ssyncset.done @!p0 $0x0  }
0x13: {  	[sflag:s2] =	ssyncadd.s32 @!p0 $0xFFFFFE00  }
0x14: {  	_ =	sfence.sel @!p0 $0x180000  }
0x15: {  	[bflag:$0x0] =	sbarrier.arrive @!p0 $0xFFFF  }
0x16: {  	_ =	strace @!p0 $0x90000047  }
0x17: {  	s0 =	sadd.s32 @!p0 $0x100000, s1;
	[bflag:$0x2] =	sbarrier.arrive @!p0 $0xFFFF  }
0x18: {  	[sflag:s0] =	ssyncadd.tile.s32 @!p0 $0x1;
	_ =	shalt  }
.Lfunc_end2:
_tile_overlayer_lowered:
.L_overlay_start_2:
0x19: {  	(tag) =	ssettag $0x2  }
0x1a: {  	s0 =	rddreg [dreg:$0x0];
	s2 =	stileid.u32  }
0x1b: {  	s1 =	rddreg [dreg:$0x1];
	p0 =	sne.s32 s2, $0x0  }
0x1c: {  	s3 =	rddreg [dreg:$0x2];
	[bflag:$0x3] =	sbarrier.arrive $0xFFFF;
	s2 =	simm.s32 @!p0 $0x1C01  }
0x1d: {  	[timem:s3], [sflag:s2] =	dma.local @!p0 [hbm:s0], s1  }
0x1e: {  	s0 =	simm.s32 @!p0 $0x1  }
0x1f: {  	_ =	swait.ge @!p0 [sflag:s0], s1  }
0x20: {  	s1 =	ssub.s32 @!p0 $0x0, s1;
	[sflag:s0] =	ssyncset.done @!p0 $0x0  }
0x21: {  	[sflag:s0] =	ssyncadd.s32 @!p0 s1  }
0x22: {  	[bflag:$0x3] =	sbarrier.arrive $0xFFFF  }
0x23: {  	_ =	shalt  }

</sc_bundles>
